<compile_context>
chip_gen: v7x
topology: tpu7x:2x2x1
jax: 0.10.2.dev20260603
libtpu: 0.0.44.dev20260713+nightly
codegen_flags: <defaults>
</compile_context>

<pallas_src>
import functools

import jax
import jax.numpy as jnp
from jax import lax
from jax.experimental import pallas as pl
from jax.experimental.pallas import tpu as pltpu
from jax.experimental.pallas import tpu_sc as plsc




def _dynamic_gather(x):
    B, C, H, W = x.shape
    R = H * W
    N = B * C
    xf = x.reshape(N, R)
    inds = jnp.linspace(C - 1, 0, C).astype(jnp.int32)
    src = (jnp.arange(B, dtype=jnp.int32)[:, None] * C + inds[None, :]).reshape(N)

    info = plsc.get_sparse_core_info()
    NC, NS = info.num_cores, info.num_subcores
    NW = NC * NS
    rows_per_w = N // NW
    G = 8
    NBUF = 3
    n_chunks = rows_per_w // G
    n_groups = n_chunks // NBUF

    mesh = plsc.VectorSubcoreMesh(
        core_axis_name="c", subcore_axis_name="s", num_cores=NC
    )

    @functools.partial(
        pl.kernel,
        mesh=mesh,
        out_type=jax.ShapeDtypeStruct((N, R), jnp.float32),
        scratch_types=[
            pltpu.VMEM((rows_per_w,), jnp.int32),
            *[pltpu.VMEM((G, R), jnp.float32) for _ in range(NBUF)],
            *[pltpu.SemaphoreType.DMA for _ in range(2 * NBUF)],
        ],
    )
    def gather_rows(x_hbm, src_hbm, out_hbm, idx_v, *scratch):
        bufs = scratch[:NBUF]
        sg = scratch[NBUF : 2 * NBUF]
        ss = scratch[2 * NBUF :]
        wid = lax.axis_index("s") * NC + lax.axis_index("c")
        base = wid * rows_per_w
        pltpu.sync_copy(src_hbm.at[pl.ds(base, rows_per_w)], idx_v)

        def group(g, carry):
            for b in range(NBUF):
                m = g * NBUF + b
                pltpu.make_async_copy(
                    x_hbm.at[idx_v.at[pl.ds(m * G, G)]], bufs[b], sg[b]
                ).wait()
                pltpu.async_copy(
                    bufs[b], out_hbm.at[pl.ds(base + m * G, G)], ss[b]
                )

                @pl.when(m + NBUF < n_chunks)
                def _():
                    pltpu.make_async_copy(
                        bufs[b], out_hbm.at[pl.ds(base + m * G, G)], ss[b]
                    ).wait()
                    pltpu.async_copy(
                        x_hbm.at[idx_v.at[pl.ds((m + NBUF) * G, G)]],
                        bufs[b],
                        sg[b],
                    )

            return carry

        for b in range(NBUF):
            pltpu.async_copy(x_hbm.at[idx_v.at[pl.ds(b * G, G)]], bufs[b], sg[b])
        lax.fori_loop(0, n_groups, group, 0)
        for b in range(NBUF):
            pltpu.make_async_copy(
                bufs[b], out_hbm.at[pl.ds(base, G)], ss[b]
            ).wait()

    return gather_rows(xf, src).reshape(B, C, H, W)


def kernel(x):
    return _dynamic_gather(x)

# --- scband reference (transcript-rebuilt; emitter-appended) ---
"""Pipeline reference for scband-swap-channels-34643206209755 (READ-ONLY COPY).

The authoritative reference and input builder live on the scoring server;
editing this copy changes nothing except your own understanding.
"""

import jax, jax.numpy as jnp
import numpy as np


def setup_inputs(seed: int = 0) -> dict:
    key = jax.random.key(seed)
    x = jax.random.normal(key, (16, 384, 64, 64), dtype=jnp.float32)
    return {"x": x}


def reference(x):
    # Faithful translation of SwapChannels.forward:
    # inds = linspace(C-1, 0, C).long(); x.index_select(1, inds)
    channels = x.shape[1]
    inds = jnp.linspace(channels - 1, 0, channels).astype(jnp.int32)
    return jnp.take(x, inds, axis=1)

if __name__ == "__main__":
    import jax
    _d = setup_inputs()
    print(jax.jit(kernel)(*tuple(_d.values())))

</pallas_src>

<mosaic_0001>
#map = affine_map<(d0, d1) -> (0, 0)>
#map1 = affine_map<(d0, d1) -> (0)>
module attributes {stable_mosaic.version = 14 : i64} {
  func.func @gather_rows(%arg0: i32, %arg1: i32, %arg2: memref<6144x4096xf32, #tpu.memory_space<hbm>>, %arg3: memref<6144xi32, #tpu.memory_space<hbm>>, %arg4: memref<6144x4096xf32, #tpu.memory_space<hbm>>, %arg5: memref<192xi32, #tpu.memory_space<vmem>>, %arg6: memref<8x4096xf32, #tpu.memory_space<vmem>>, %arg7: memref<8x4096xf32, #tpu.memory_space<vmem>>, %arg8: memref<8x4096xf32, #tpu.memory_space<vmem>>, %arg9: memref<!tpu.dma_semaphore, #tpu.memory_space<semaphore_mem>>, %arg10: memref<!tpu.dma_semaphore, #tpu.memory_space<semaphore_mem>>, %arg11: memref<!tpu.dma_semaphore, #tpu.memory_space<semaphore_mem>>, %arg12: memref<!tpu.dma_semaphore, #tpu.memory_space<semaphore_mem>>, %arg13: memref<!tpu.dma_semaphore, #tpu.memory_space<semaphore_mem>>, %arg14: memref<!tpu.dma_semaphore, #tpu.memory_space<semaphore_mem>>) attributes {dimension_semantics = [#tpu.dimension_semantics<core_parallel>, #tpu.dimension_semantics<subcore_parallel>], iteration_bounds = array<i64: 2, 16>, scalar_prefetch = 0 : i64, scratch_operands = 10 : i64, tpu.core_type = #tpu.core_type<sc_vector_subcore>, window_params = [{transform_indices = #map}, {transform_indices = #map1}, {transform_indices = #map}]} {
    %mul3A = arith.constant 2 : i32
    %mul3A_0 = arith.muli %arg1, %mul3A : i32
    %add3A = arith.addi %mul3A_0, %arg0 : i32
    %mul3A_1 = arith.constant 192 : i32
    %mul3A_2 = arith.muli %add3A, %mul3A_1 : i32
    "tpu.region"() ({
      %run_scoped3A = tpu.sem_alloc : memref<!tpu.dma_semaphore, #tpu.memory_space<semaphore_mem>>
      %dma_start3A_33 = tpu.memref_slice %arg3[%mul3A_2] : memref<6144xi32, #tpu.memory_space<hbm>> -> memref<192xi32, #tpu.memory_space<hbm>>
      %dma_start3A_34 = tpu.memref_slice %arg3[%mul3A_2] : memref<6144xi32, #tpu.memory_space<hbm>> -> memref<192xi32, #tpu.memory_space<hbm>>
      tpu.enqueue_dma source(%dma_start3A_34 : memref<192xi32, #tpu.memory_space<hbm>>) target(%arg5 : memref<192xi32, #tpu.memory_space<vmem>>) target_semaphore(%run_scoped3A : memref<!tpu.dma_semaphore, #tpu.memory_space<semaphore_mem>>)
      %dma_wait3A_35 = tpu.memref_slice %arg3[%mul3A_2] : memref<6144xi32, #tpu.memory_space<hbm>> -> memref<192xi32, #tpu.memory_space<hbm>>
      %dma_wait3A_36 = tpu.memref_slice %arg3[%mul3A_2] : memref<6144xi32, #tpu.memory_space<hbm>> -> memref<192xi32, #tpu.memory_space<hbm>>
      tpu.wait_dma2 semaphore(%run_scoped3A : memref<!tpu.dma_semaphore, #tpu.memory_space<semaphore_mem>>) src(%dma_wait3A_36 : memref<192xi32, #tpu.memory_space<hbm>>) dst(%arg5 : memref<192xi32, #tpu.memory_space<vmem>>)
      tpu.yield
    }) : () -> ()
    %dma_start3A = arith.constant 0 : i32
    %dma_start3A_3 = tpu.memref_slice %arg5[%dma_start3A] : memref<192xi32, #tpu.memory_space<vmem>> -> memref<8xi32, #tpu.memory_space<vmem>>
    %dma_start3A_4 = arith.constant 0 : i32
    %dma_start3A_5 = arith.constant 0 : i32
    %dma_start3A_6 = tpu.memref_slice %arg2[%dma_start3A_4, %dma_start3A_5] : memref<6144x4096xf32, #tpu.memory_space<hbm>> -> memref<6144x4096xf32, #tpu.memory_space<hbm>>
    tpu.enqueue_indirect_dma source(%dma_start3A_6 : memref<6144x4096xf32, #tpu.memory_space<hbm>>) target(%arg6 : memref<8x4096xf32, #tpu.memory_space<vmem>>) offsets(%dma_start3A_3 : memref<8xi32, #tpu.memory_space<vmem>>) semaphore(%arg9 : memref<!tpu.dma_semaphore, #tpu.memory_space<semaphore_mem>>)
    %dma_start3A_7 = arith.constant 8 : i32
    %dma_start3A_8 = tpu.memref_slice %arg5[%dma_start3A_7] : memref<192xi32, #tpu.memory_space<vmem>> -> memref<8xi32, #tpu.memory_space<vmem>>
    %dma_start3A_9 = arith.constant 0 : i32
    %dma_start3A_10 = arith.constant 0 : i32
    %dma_start3A_11 = tpu.memref_slice %arg2[%dma_start3A_9, %dma_start3A_10] : memref<6144x4096xf32, #tpu.memory_space<hbm>> -> memref<6144x4096xf32, #tpu.memory_space<hbm>>
    tpu.enqueue_indirect_dma source(%dma_start3A_11 : memref<6144x4096xf32, #tpu.memory_space<hbm>>) target(%arg7 : memref<8x4096xf32, #tpu.memory_space<vmem>>) offsets(%dma_start3A_8 : memref<8xi32, #tpu.memory_space<vmem>>) semaphore(%arg10 : memref<!tpu.dma_semaphore, #tpu.memory_space<semaphore_mem>>)
    %dma_start3A_12 = arith.constant 16 : i32
    %dma_start3A_13 = tpu.memref_slice %arg5[%dma_start3A_12] : memref<192xi32, #tpu.memory_space<vmem>> -> memref<8xi32, #tpu.memory_space<vmem>>
    %dma_start3A_14 = arith.constant 0 : i32
    %dma_start3A_15 = arith.constant 0 : i32
    %dma_start3A_16 = tpu.memref_slice %arg2[%dma_start3A_14, %dma_start3A_15] : memref<6144x4096xf32, #tpu.memory_space<hbm>> -> memref<6144x4096xf32, #tpu.memory_space<hbm>>
    tpu.enqueue_indirect_dma source(%dma_start3A_16 : memref<6144x4096xf32, #tpu.memory_space<hbm>>) target(%arg8 : memref<8x4096xf32, #tpu.memory_space<vmem>>) offsets(%dma_start3A_13 : memref<8xi32, #tpu.memory_space<vmem>>) semaphore(%arg11 : memref<!tpu.dma_semaphore, #tpu.memory_space<semaphore_mem>>)
    %scan3A = arith.constant 0 : i32
    %scan3A_17 = arith.constant 0 : i32
    %scan3A_18 = arith.constant 8 : i32
    %scan3A_19 = arith.addi %scan3A_17, %scan3A_18 : i32
    %scan3A_20 = arith.constant 1 : i32
    scf.for %scan3A_33 = %scan3A_17 to %scan3A_19 step %scan3A_20  : i32 {
      %mul3A_34 = arith.constant 3 : i32
      %mul3A_35 = arith.muli %scan3A_33, %mul3A_34 : i32
      %add3A_36 = arith.constant 0 : i32
      %add3A_37 = arith.addi %mul3A_35, %add3A_36 : i32
      %mul3A_38 = arith.constant 8 : i32
      %mul3A_39 = arith.muli %add3A_37, %mul3A_38 : i32
      %dma_wait3A_40 = tpu.memref_slice %arg5[%mul3A_39] : memref<192xi32, #tpu.memory_space<vmem>> -> memref<8xi32, #tpu.memory_space<vmem>>
      %dma_wait3A_41 = arith.constant 0 : i32
      %dma_wait3A_42 = arith.constant 0 : i32
      %dma_wait3A_43 = tpu.memref_slice %arg2[%dma_wait3A_41, %dma_wait3A_42] : memref<6144x4096xf32, #tpu.memory_space<hbm>> -> memref<6144x4096xf32, #tpu.memory_space<hbm>>
      tpu.wait_indirect_dma semaphore(%arg9 : memref<!tpu.dma_semaphore, #tpu.memory_space<semaphore_mem>>) src(%dma_wait3A_43 : memref<6144x4096xf32, #tpu.memory_space<hbm>>) dst(%arg6 : memref<8x4096xf32, #tpu.memory_space<vmem>>)
      %mul3A_44 = arith.constant 8 : i32
      %mul3A_45 = arith.muli %add3A_37, %mul3A_44 : i32
      %add3A_46 = arith.addi %mul3A_2, %mul3A_45 : i32
      %dma_start3A_47 = arith.constant 0 : i32
      %dma_start3A_48 = tpu.memref_slice %arg4[%add3A_46, %dma_start3A_47] : memref<6144x4096xf32, #tpu.memory_space<hbm>> -> memref<8x4096xf32, #tpu.memory_space<hbm>>
      %dma_start3A_49 = arith.constant 0 : i32
      %dma_start3A_50 = tpu.memref_slice %arg4[%add3A_46, %dma_start3A_49] : memref<6144x4096xf32, #tpu.memory_space<hbm>> -> memref<8x4096xf32, #tpu.memory_space<hbm>>
      tpu.enqueue_dma source(%arg6 : memref<8x4096xf32, #tpu.memory_space<vmem>>) target(%dma_start3A_50 : memref<8x4096xf32, #tpu.memory_space<hbm>>) target_semaphore(%arg12 : memref<!tpu.dma_semaphore, #tpu.memory_space<semaphore_mem>>)
      %add3A_51 = arith.constant 3 : i32
      %add3A_52 = arith.addi %add3A_37, %add3A_51 : i32
      %lt3A = arith.constant 24 : i32
      %lt3A_53 = arith.cmpi slt, %add3A_52, %lt3A : i32
      %convert_element_type3A = arith.extui %lt3A_53 : i1 to i32
      %cond3A = arith.constant 0 : i32
      %cond3A_54 = arith.cmpi ne, %convert_element_type3A, %cond3A : i32
      scf.if %cond3A_54 {
        %mul3A_103 = arith.constant 8 : i32
        %mul3A_104 = arith.muli %add3A_37, %mul3A_103 : i32
        %add3A_105 = arith.addi %mul3A_2, %mul3A_104 : i32
        %dma_wait3A_106 = arith.constant 0 : i32
        %dma_wait3A_107 = tpu.memref_slice %arg4[%add3A_105, %dma_wait3A_106] : memref<6144x4096xf32, #tpu.memory_space<hbm>> -> memref<8x4096xf32, #tpu.memory_space<hbm>>
        %dma_wait3A_108 = arith.constant 0 : i32
        %dma_wait3A_109 = tpu.memref_slice %arg4[%add3A_105, %dma_wait3A_108] : memref<6144x4096xf32, #tpu.memory_space<hbm>> -> memref<8x4096xf32, #tpu.memory_space<hbm>>
        tpu.wait_dma2 semaphore(%arg12 : memref<!tpu.dma_semaphore, #tpu.memory_space<semaphore_mem>>) src(%arg6 : memref<8x4096xf32, #tpu.memory_space<vmem>>) dst(%dma_wait3A_109 : memref<8x4096xf32, #tpu.memory_space<hbm>>)
        %add3A_110 = arith.constant 3 : i32
        %add3A_111 = arith.addi %add3A_37, %add3A_110 : i32
        %mul3A_112 = arith.constant 8 : i32
        %mul3A_113 = arith.muli %add3A_111, %mul3A_112 : i32
        %dma_start3A_114 = tpu.memref_slice %arg5[%mul3A_113] : memref<192xi32, #tpu.memory_space<vmem>> -> memref<8xi32, #tpu.memory_space<vmem>>
        %dma_start3A_115 = arith.constant 0 : i32
        %dma_start3A_116 = arith.constant 0 : i32
        %dma_start3A_117 = tpu.memref_slice %arg2[%dma_start3A_115, %dma_start3A_116] : memref<6144x4096xf32, #tpu.memory_space<hbm>> -> memref<6144x4096xf32, #tpu.memory_space<hbm>>
        tpu.enqueue_indirect_dma source(%dma_start3A_117 : memref<6144x4096xf32, #tpu.memory_space<hbm>>) target(%arg6 : memref<8x4096xf32, #tpu.memory_space<vmem>>) offsets(%dma_start3A_114 : memref<8xi32, #tpu.memory_space<vmem>>) semaphore(%arg9 : memref<!tpu.dma_semaphore, #tpu.memory_space<semaphore_mem>>)
      } else {
      }
      %mul3A_55 = arith.constant 3 : i32
      %mul3A_56 = arith.muli %scan3A_33, %mul3A_55 : i32
      %add3A_57 = arith.constant 1 : i32
      %add3A_58 = arith.addi %mul3A_56, %add3A_57 : i32
      %mul3A_59 = arith.constant 8 : i32
      %mul3A_60 = arith.muli %add3A_58, %mul3A_59 : i32
      %dma_wait3A_61 = tpu.memref_slice %arg5[%mul3A_60] : memref<192xi32, #tpu.memory_space<vmem>> -> memref<8xi32, #tpu.memory_space<vmem>>
      %dma_wait3A_62 = arith.constant 0 : i32
      %dma_wait3A_63 = arith.constant 0 : i32
      %dma_wait3A_64 = tpu.memref_slice %arg2[%dma_wait3A_62, %dma_wait3A_63] : memref<6144x4096xf32, #tpu.memory_space<hbm>> -> memref<6144x4096xf32, #tpu.memory_space<hbm>>
      tpu.wait_indirect_dma semaphore(%arg10 : memref<!tpu.dma_semaphore, #tpu.memory_space<semaphore_mem>>) src(%dma_wait3A_64 : memref<6144x4096xf32, #tpu.memory_space<hbm>>) dst(%arg7 : memref<8x4096xf32, #tpu.memory_space<vmem>>)
      %mul3A_65 = arith.constant 8 : i32
      %mul3A_66 = arith.muli %add3A_58, %mul3A_65 : i32
      %add3A_67 = arith.addi %mul3A_2, %mul3A_66 : i32
      %dma_start3A_68 = arith.constant 0 : i32
      %dma_start3A_69 = tpu.memref_slice %arg4[%add3A_67, %dma_start3A_68] : memref<6144x4096xf32, #tpu.memory_space<hbm>> -> memref<8x4096xf32, #tpu.memory_space<hbm>>
      %dma_start3A_70 = arith.constant 0 : i32
      %dma_start3A_71 = tpu.memref_slice %arg4[%add3A_67, %dma_start3A_70] : memref<6144x4096xf32, #tpu.memory_space<hbm>> -> memref<8x4096xf32, #tpu.memory_space<hbm>>
      tpu.enqueue_dma source(%arg7 : memref<8x4096xf32, #tpu.memory_space<vmem>>) target(%dma_start3A_71 : memref<8x4096xf32, #tpu.memory_space<hbm>>) target_semaphore(%arg13 : memref<!tpu.dma_semaphore, #tpu.memory_space<semaphore_mem>>)
      %add3A_72 = arith.constant 3 : i32
      %add3A_73 = arith.addi %add3A_58, %add3A_72 : i32
      %lt3A_74 = arith.constant 24 : i32
      %lt3A_75 = arith.cmpi slt, %add3A_73, %lt3A_74 : i32
      %convert_element_type3A_76 = arith.extui %lt3A_75 : i1 to i32
      %cond3A_77 = arith.constant 0 : i32
      %cond3A_78 = arith.cmpi ne, %convert_element_type3A_76, %cond3A_77 : i32
      scf.if %cond3A_78 {
        %mul3A_103 = arith.constant 8 : i32
        %mul3A_104 = arith.muli %add3A_58, %mul3A_103 : i32
        %add3A_105 = arith.addi %mul3A_2, %mul3A_104 : i32
        %dma_wait3A_106 = arith.constant 0 : i32
        %dma_wait3A_107 = tpu.memref_slice %arg4[%add3A_105, %dma_wait3A_106] : memref<6144x4096xf32, #tpu.memory_space<hbm>> -> memref<8x4096xf32, #tpu.memory_space<hbm>>
        %dma_wait3A_108 = arith.constant 0 : i32
        %dma_wait3A_109 = tpu.memref_slice %arg4[%add3A_105, %dma_wait3A_108] : memref<6144x4096xf32, #tpu.memory_space<hbm>> -> memref<8x4096xf32, #tpu.memory_space<hbm>>
        tpu.wait_dma2 semaphore(%arg13 : memref<!tpu.dma_semaphore, #tpu.memory_space<semaphore_mem>>) src(%arg7 : memref<8x4096xf32, #tpu.memory_space<vmem>>) dst(%dma_wait3A_109 : memref<8x4096xf32, #tpu.memory_space<hbm>>)
        %add3A_110 = arith.constant 3 : i32
        %add3A_111 = arith.addi %add3A_58, %add3A_110 : i32
        %mul3A_112 = arith.constant 8 : i32
        %mul3A_113 = arith.muli %add3A_111, %mul3A_112 : i32
        %dma_start3A_114 = tpu.memref_slice %arg5[%mul3A_113] : memref<192xi32, #tpu.memory_space<vmem>> -> memref<8xi32, #tpu.memory_space<vmem>>
        %dma_start3A_115 = arith.constant 0 : i32
        %dma_start3A_116 = arith.constant 0 : i32
        %dma_start3A_117 = tpu.memref_slice %arg2[%dma_start3A_115, %dma_start3A_116] : memref<6144x4096xf32, #tpu.memory_space<hbm>> -> memref<6144x4096xf32, #tpu.memory_space<hbm>>
        tpu.enqueue_indirect_dma source(%dma_start3A_117 : memref<6144x4096xf32, #tpu.memory_space<hbm>>) target(%arg7 : memref<8x4096xf32, #tpu.memory_space<vmem>>) offsets(%dma_start3A_114 : memref<8xi32, #tpu.memory_space<vmem>>) semaphore(%arg10 : memref<!tpu.dma_semaphore, #tpu.memory_space<semaphore_mem>>)
      } else {
      }
      %mul3A_79 = arith.constant 3 : i32
      %mul3A_80 = arith.muli %scan3A_33, %mul3A_79 : i32
      %add3A_81 = arith.constant 2 : i32
      %add3A_82 = arith.addi %mul3A_80, %add3A_81 : i32
      %mul3A_83 = arith.constant 8 : i32
      %mul3A_84 = arith.muli %add3A_82, %mul3A_83 : i32
      %dma_wait3A_85 = tpu.memref_slice %arg5[%mul3A_84] : memref<192xi32, #tpu.memory_space<vmem>> -> memref<8xi32, #tpu.memory_space<vmem>>
      %dma_wait3A_86 = arith.constant 0 : i32
      %dma_wait3A_87 = arith.constant 0 : i32
      %dma_wait3A_88 = tpu.memref_slice %arg2[%dma_wait3A_86, %dma_wait3A_87] : memref<6144x4096xf32, #tpu.memory_space<hbm>> -> memref<6144x4096xf32, #tpu.memory_space<hbm>>
      tpu.wait_indirect_dma semaphore(%arg11 : memref<!tpu.dma_semaphore, #tpu.memory_space<semaphore_mem>>) src(%dma_wait3A_88 : memref<6144x4096xf32, #tpu.memory_space<hbm>>) dst(%arg8 : memref<8x4096xf32, #tpu.memory_space<vmem>>)
      %mul3A_89 = arith.constant 8 : i32
      %mul3A_90 = arith.muli %add3A_82, %mul3A_89 : i32
      %add3A_91 = arith.addi %mul3A_2, %mul3A_90 : i32
      %dma_start3A_92 = arith.constant 0 : i32
      %dma_start3A_93 = tpu.memref_slice %arg4[%add3A_91, %dma_start3A_92] : memref<6144x4096xf32, #tpu.memory_space<hbm>> -> memref<8x4096xf32, #tpu.memory_space<hbm>>
      %dma_start3A_94 = arith.constant 0 : i32
      %dma_start3A_95 = tpu.memref_slice %arg4[%add3A_91, %dma_start3A_94] : memref<6144x4096xf32, #tpu.memory_space<hbm>> -> memref<8x4096xf32, #tpu.memory_space<hbm>>
      tpu.enqueue_dma source(%arg8 : memref<8x4096xf32, #tpu.memory_space<vmem>>) target(%dma_start3A_95 : memref<8x4096xf32, #tpu.memory_space<hbm>>) target_semaphore(%arg14 : memref<!tpu.dma_semaphore, #tpu.memory_space<semaphore_mem>>)
      %add3A_96 = arith.constant 3 : i32
      %add3A_97 = arith.addi %add3A_82, %add3A_96 : i32
      %lt3A_98 = arith.constant 24 : i32
      %lt3A_99 = arith.cmpi slt, %add3A_97, %lt3A_98 : i32
      %convert_element_type3A_100 = arith.extui %lt3A_99 : i1 to i32
      %cond3A_101 = arith.constant 0 : i32
      %cond3A_102 = arith.cmpi ne, %convert_element_type3A_100, %cond3A_101 : i32
      scf.if %cond3A_102 {
        %mul3A_103 = arith.constant 8 : i32
        %mul3A_104 = arith.muli %add3A_82, %mul3A_103 : i32
        %add3A_105 = arith.addi %mul3A_2, %mul3A_104 : i32
        %dma_wait3A_106 = arith.constant 0 : i32
        %dma_wait3A_107 = tpu.memref_slice %arg4[%add3A_105, %dma_wait3A_106] : memref<6144x4096xf32, #tpu.memory_space<hbm>> -> memref<8x4096xf32, #tpu.memory_space<hbm>>
        %dma_wait3A_108 = arith.constant 0 : i32
        %dma_wait3A_109 = tpu.memref_slice %arg4[%add3A_105, %dma_wait3A_108] : memref<6144x4096xf32, #tpu.memory_space<hbm>> -> memref<8x4096xf32, #tpu.memory_space<hbm>>
        tpu.wait_dma2 semaphore(%arg14 : memref<!tpu.dma_semaphore, #tpu.memory_space<semaphore_mem>>) src(%arg8 : memref<8x4096xf32, #tpu.memory_space<vmem>>) dst(%dma_wait3A_109 : memref<8x4096xf32, #tpu.memory_space<hbm>>)
        %add3A_110 = arith.constant 3 : i32
        %add3A_111 = arith.addi %add3A_82, %add3A_110 : i32
        %mul3A_112 = arith.constant 8 : i32
        %mul3A_113 = arith.muli %add3A_111, %mul3A_112 : i32
        %dma_start3A_114 = tpu.memref_slice %arg5[%mul3A_113] : memref<192xi32, #tpu.memory_space<vmem>> -> memref<8xi32, #tpu.memory_space<vmem>>
        %dma_start3A_115 = arith.constant 0 : i32
        %dma_start3A_116 = arith.constant 0 : i32
        %dma_start3A_117 = tpu.memref_slice %arg2[%dma_start3A_115, %dma_start3A_116] : memref<6144x4096xf32, #tpu.memory_space<hbm>> -> memref<6144x4096xf32, #tpu.memory_space<hbm>>
        tpu.enqueue_indirect_dma source(%dma_start3A_117 : memref<6144x4096xf32, #tpu.memory_space<hbm>>) target(%arg8 : memref<8x4096xf32, #tpu.memory_space<vmem>>) offsets(%dma_start3A_114 : memref<8xi32, #tpu.memory_space<vmem>>) semaphore(%arg11 : memref<!tpu.dma_semaphore, #tpu.memory_space<semaphore_mem>>)
      } else {
      }
    }
    %scan3A_21 = arith.constant 8 : i32
    %dma_wait3A = arith.constant 0 : i32
    %dma_wait3A_22 = tpu.memref_slice %arg4[%mul3A_2, %dma_wait3A] : memref<6144x4096xf32, #tpu.memory_space<hbm>> -> memref<8x4096xf32, #tpu.memory_space<hbm>>
    %dma_wait3A_23 = arith.constant 0 : i32
    %dma_wait3A_24 = tpu.memref_slice %arg4[%mul3A_2, %dma_wait3A_23] : memref<6144x4096xf32, #tpu.memory_space<hbm>> -> memref<8x4096xf32, #tpu.memory_space<hbm>>
    tpu.wait_dma2 semaphore(%arg12 : memref<!tpu.dma_semaphore, #tpu.memory_space<semaphore_mem>>) src(%arg6 : memref<8x4096xf32, #tpu.memory_space<vmem>>) dst(%dma_wait3A_24 : memref<8x4096xf32, #tpu.memory_space<hbm>>)
    %dma_wait3A_25 = arith.constant 0 : i32
    %dma_wait3A_26 = tpu.memref_slice %arg4[%mul3A_2, %dma_wait3A_25] : memref<6144x4096xf32, #tpu.memory_space<hbm>> -> memref<8x4096xf32, #tpu.memory_space<hbm>>
    %dma_wait3A_27 = arith.constant 0 : i32
    %dma_wait3A_28 = tpu.memref_slice %arg4[%mul3A_2, %dma_wait3A_27] : memref<6144x4096xf32, #tpu.memory_space<hbm>> -> memref<8x4096xf32, #tpu.memory_space<hbm>>
    tpu.wait_dma2 semaphore(%arg13 : memref<!tpu.dma_semaphore, #tpu.memory_space<semaphore_mem>>) src(%arg7 : memref<8x4096xf32, #tpu.memory_space<vmem>>) dst(%dma_wait3A_28 : memref<8x4096xf32, #tpu.memory_space<hbm>>)
    %dma_wait3A_29 = arith.constant 0 : i32
    %dma_wait3A_30 = tpu.memref_slice %arg4[%mul3A_2, %dma_wait3A_29] : memref<6144x4096xf32, #tpu.memory_space<hbm>> -> memref<8x4096xf32, #tpu.memory_space<hbm>>
    %dma_wait3A_31 = arith.constant 0 : i32
    %dma_wait3A_32 = tpu.memref_slice %arg4[%mul3A_2, %dma_wait3A_31] : memref<6144x4096xf32, #tpu.memory_space<hbm>> -> memref<8x4096xf32, #tpu.memory_space<hbm>>
    tpu.wait_dma2 semaphore(%arg14 : memref<!tpu.dma_semaphore, #tpu.memory_space<semaphore_mem>>) src(%arg8 : memref<8x4096xf32, #tpu.memory_space<vmem>>) dst(%dma_wait3A_32 : memref<8x4096xf32, #tpu.memory_space<hbm>>)
    return
  }
}

</mosaic_0001>

<sc_bundles>
// kernel: kernel.3.cloned.1.call-start
scs
__scs_entry_jumppad:
0x0: {  	(pc) =	sbr.rel $0x88, $3  }
0x1: {  	(tag) =	ssettag $0x0;
	lr =	simm.s32 $0x1  }
0x2: {  	[smem:$0x3FA0] =	sst lr;
	_ =	strace $0xD0000000  }
0x3: {  	_ = 	snop  }
0x4: {  	_ = 	snop  }
0x5: {  	_ = 	snop  }
0x6: {  	_ = 	snop  }
0x7: {  	_ = 	snop  }
__scs_overlays_trampoline_lowered:
0x8: {  	[smem:$0x3FAF] =	sst s0  }
0x9: {  	[smem:$0x3FB0] =	sst s1  }
0xa: {  	[smem:$0x3FB1] =	sst s2  }
0xb: {  	[smem:$0x3FB2] =	sst s3  }
0xc: {  	[smem:$0x3FB3] =	sst s4  }
0xd: {  	[smem:$0x3FB4] =	sst s5  }
0xe: {  	[smem:$0x3FB5] =	sst s6  }
0xf: {  	[smem:$0x3FB6] =	sst s7  }
0x10: {  	[smem:$0x3FB7] =	sst s8  }
0x11: {  	[smem:$0x3FB8] =	sst s9;
	s0 =	simm.s32 @!p0 $0x0  }
0x12: {  	s1 =	sld [smem:$0x3F9E];
	s0 =	simm.s32 @p0 $0x1  }
0x13: {  	[smem:$0x3FB9] =	sst s0;
	s0 =	simm.s32 @!p1 $0x0  }
0x14: {  	s2 =	sld [smem:$0x3F9D];
	s0 =	simm.s32 @p1 $0x1  }
0x15: {  	[smem:$0x3FBA] =	sst s0;
	s0 =	simm.s32 @!p2 $0x0  }
0x16: {  	s3 =	sld [smem:$0x3FDB];
	s0 =	simm.s32 @p2 $0x1  }
0x17: {  	s4 =	simm.s32 $0x1BF5;
	[smem:$0x3FBC] =	sst s0  }
0x18: {  	s0 =	sld [smem:$0x3F9F];
	_ =	swait.ge [sflag:s4], $0x0  }
0x19: {  	s7 =	sld [smem:$0x3FA0]  }
0x1a: {  	s8 =	sadd.s32 $0xFFFFE003, lr  }
0x1b: {  	s9 =	sadd.s32 $0xFFFFFEF7, lr;
	s5 =	simm.s32 $0xFFFFFFFF;
	p2 =	slt.u32 s8, $0xFFFFF086  }
0x1c: {  	p1 =	slt.u32 s9, $0xF7A;
	s5 =	simm.s32 @!p2 $0x0  }
0x1d: {  	s5 =	simm.s32 @p1 $0x1;
	p0 =	seq.s32 s7, s2  }
0x1e: {  	s7 =	smul.u32 @!p0 $0xF7A, s2;
	p2 =	seq.s32 @!p0 s5, $0x0  }
0x1f: {  	s9 =	smul.u32 $0xF7A, s1;
	s8 =	simm.s32 @!p0 $0x1BF5;
	p2 =	por !p2, p0  }
0x20: {  	[sflag:s8] =	ssyncset.s32 @!p0 $0xFFFFF086;
	s6 =	sadd.s32 @!p0 s3, s7;
	s7 =	simm.s32 @!p0 $0x108  }
0x21: {  	s3 =	sadd.s32 s3, s9;
	s6 =	sadd.s32 @!p0 $0x88, s6;
	s7 =	simm.s32 @p2 $0x1082  }
0x22: {  	[simem:s7], [sflag:s8] =	dma.local @!p0 [hbm:s6], $0xF7A  }
0x23: {  	s9 =	sor.u32 $0xD0000000, s2;
	s6 =	simm.s32 $0x108;
	_ =	swait.ge @!p0 [sflag:s8], $0x0  }
0x24: {  	s3 =	sadd.s32 $0x88, s3;
	s6 =	simm.s32 @!p1 $0x1082;
	[sflag:s4] =	ssyncset.s32 $0xFFFFF086  }
0x25: {  	[simem:s6], [sflag:s4] =	dma.local [hbm:s3], $0xF7A  }
0x26: {  	[smem:$0x3FA0] =	sst s1;
	(tag) =	ssettag s2;
	_ =	strace s9  }
0x27: {  	s1 =	sld [smem:$0x3FB0]  }
0x28: {  	s2 =	sld [smem:$0x3FB1]  }
0x29: {  	s4 =	sld [smem:$0x3FB3]  }
0x2a: {  	p0 =	seq.s32 s5, $0x0;
	s5 =	sld [smem:$0x3FB4]  }
0x2b: {  	s6 =	sld [smem:$0x3FB5]  }
0x2c: {  	s7 =	sld [smem:$0x3FB6]  }
0x2d: {  	s3 =	simm.s32 $0x108;
	s8 =	sld [smem:$0x3FB7]  }
0x2e: {  	s3 =	simm.s32 @!p0 $0x1082;
	s9 =	sld [smem:$0x3FB8]  }
0x2f: {  	lr =	sadd.s32 s0, s3;
	s0 =	sld [smem:$0x3FAF]  }
0x30: {  	s3 =	sld [smem:$0x3FB2]  }
0x31: {  	[smem:$0x3FBB] =	sst s10  }
0x32: {  	s10 =	sld [smem:$0x3FB9];
	_ =	sdelay $0x3  }
0x33: {  	p0 =	seq.s32 s10, $0x1;
	s10 =	sld [smem:$0x3FBB];
	_ =	sdelay $0x3  }
0x34: {  	[smem:$0x3FBB] =	sst s10  }
0x35: {  	s10 =	sld [smem:$0x3FBA];
	_ =	sdelay $0x3  }
0x36: {  	p1 =	seq.s32 s10, $0x1;
	s10 =	sld [smem:$0x3FBB];
	_ =	sdelay $0x3  }
0x37: {  	[smem:$0x3FBB] =	sst s10  }
0x38: {  	s10 =	sld [smem:$0x3FBC]  }
0x39: {  	_ = 	snop;
	(pc) =	sbr.ind lr, $3  }
0x3a: {  	_ = 	snop  }
0x3b: {  	_ = 	snop  }
0x3c: {  	p2 =	seq.s32 s10, $0x1;
	s10 =	sld [smem:$0x3FBB]  }
0x3d: {  	_ =	shalt  }
0x3e: {  	_ =	shalt  }
0x3f: {  	_ =	shalt  }
0x40: {  	_ =	shalt  }
0x41: {  	_ =	shalt  }
0x42: {  	_ =	shalt  }
0x43: {  	_ =	shalt  }
0x44: {  	_ =	shalt  }
0x45: {  	_ =	shalt  }
0x46: {  	_ =	shalt  }
0x47: {  	_ =	shalt  }
0x48: {  	_ =	shalt  }
0x49: {  	_ =	shalt  }
0x4a: {  	_ =	shalt  }
0x4b: {  	_ =	shalt  }
0x4c: {  	_ =	shalt  }
0x4d: {  	_ =	shalt  }
0x4e: {  	_ =	shalt  }
0x4f: {  	_ =	shalt  }
0x50: {  	_ =	shalt  }
0x51: {  	_ =	shalt  }
0x52: {  	_ =	shalt  }
0x53: {  	_ =	shalt  }
0x54: {  	_ =	shalt  }
0x55: {  	_ =	shalt  }
0x56: {  	_ =	shalt  }
0x57: {  	_ =	shalt  }
0x58: {  	_ =	shalt  }
0x59: {  	_ =	shalt  }
0x5a: {  	_ =	shalt  }
0x5b: {  	_ =	shalt  }
0x5c: {  	_ =	shalt  }
0x5d: {  	_ =	shalt  }
0x5e: {  	_ =	shalt  }
0x5f: {  	_ =	shalt  }
0x60: {  	_ =	shalt  }
0x61: {  	_ =	shalt  }
0x62: {  	_ =	shalt  }
0x63: {  	_ =	shalt  }
0x64: {  	_ =	shalt  }
0x65: {  	_ =	shalt  }
0x66: {  	_ =	shalt  }
0x67: {  	_ =	shalt  }
0x68: {  	_ =	shalt  }
0x69: {  	_ =	shalt  }
0x6a: {  	_ =	shalt  }
0x6b: {  	_ =	shalt  }
0x6c: {  	_ =	shalt  }
0x6d: {  	_ =	shalt  }
0x6e: {  	_ =	shalt  }
0x6f: {  	_ =	shalt  }
0x70: {  	_ =	shalt  }
0x71: {  	_ =	shalt  }
0x72: {  	_ =	shalt  }
0x73: {  	_ =	shalt  }
0x74: {  	_ =	shalt  }
0x75: {  	_ =	shalt  }
0x76: {  	_ =	shalt  }
0x77: {  	_ =	shalt  }
0x78: {  	_ =	shalt  }
0x79: {  	_ =	shalt  }
0x7a: {  	_ =	shalt  }
0x7b: {  	_ =	shalt  }
0x7c: {  	_ =	shalt  }
0x7d: {  	_ =	shalt  }
0x7e: {  	_ =	shalt  }
0x7f: {  	_ =	shalt  }
0x80: {  	_ =	shalt  }
0x81: {  	_ =	shalt  }
0x82: {  	_ =	shalt  }
0x83: {  	_ =	shalt  }
0x84: {  	_ =	shalt  }
0x85: {  	_ =	shalt  }
0x86: {  	_ =	shalt  }
0x87: {  	_ =	shalt  }
.Lfunc_end0:
.L_simem_size_0:
called_computation.2_lowered:
.L_overlay_start_0:
0x88: {  	s2 =	sld [smem:$0x3FD9]  }
0x89: {  	s3 =	sld [smem:$0x3FFE];
	_ =	sdelay $0x1  }
0x8a: {  	s1 =	srdreg.scid  }
0x8b: {  	s0 =	sand.u32 $0x1, s1  }
0x8c: {  	s17 =	sshll.u32 s0, $0xA;
	s2 =	sadd.s32 s3, s2  }
0x8d: {  	s2 =	sadd.s32 s2, s17  }
0x8e: {  	[smem:$0x3FC7] =	sst s2  }
0x8f: {  	_ = 	snop  }
0x90: {  	s2 =	sld [smem:$0x3FD0];
	(tm) =	ssettm $0x1  }
0x91: {  	s18 =	sld [smem:$0x3FFB];
	_ =	sdelay $0x3  }
0x92: {  	_ =	strace s18  }
0x93: {  	s3 =	sld [smem:$0x3FFC];
	_ =	sdelay $0x3  }
0x94: {  	_ =	strace s3  }
0x95: {  	s3 =	sld [smem:$0x3FFD];
	_ =	sdelay $0x3  }
0x96: {  	_ =	strace s3  }
0x97: {  	_ =	strace $0x8FFFFFFF  }
0x98: {  	s19 =	sld [smem:$0x3FDB];
	_ =	sdelay $0x1  }
0x99: {  	s4 =	simm.s32 $_scs_section_size  }
0x9a: {  	s5 =	simm.s32 $_size__tile_overlayer_lowered;
	s6 =	simm.s32 $_tile_overlayer_lowered  }
0x9b: {  	s22 =	simm.s32 $0x1BFF;
	s21 =	sshll.u32 s6, $0x1;
	s3 =	sadd.s32 s4, s19  }
0x9c: {  	s7 =	simm.s32 $0x0;
	s20 =	sshll.u32 s5, $0x1;
	s5 =	sadd.s32 s21, s3  }
0x9d: {  	[timem:s7], [sflag:s22] =	dma.local [hbm:s5], s20  }
0x9e: {  	_ =	swait.ge [sflag:s22], s20  }
0x9f: {  	s4 =	ssub.s32 $0x0, s20;
	[sflag:s22] =	ssyncset.done $0x0  }
0xa0: {  	[sflag:s22] =	ssyncadd.s32 s4;
	_ =	sdelay $0x1  }
0xa1: {  	s23 =	simm.s32 $0x1B8B  }
0xa2: {  	_ =	swait.ge [sflag:s23], $0x1  }
0xa3: {  	[sflag:s23] =	ssyncset.done $0x0  }
0xa4: {  	s25 =	simm.s32 $0x1B8E;
	s24 =	sld [smem:$0x3FFE];
	[sflag:s23] =	ssyncadd.s32 $0xFFFFFFFF  }
0xa5: {  	s26 =	simm.s32 $execute0_lowered;
	[smem:$0x3FD2] =	sst s25  }
0xa6: {  	s5 =	sshll.u32 s26, $0x1;
	_ =	strace $0x80000049;
	[dreg:$0x1] =	wrdreg $0xFFFFFFFF  }
0xa7: {  	s28 =	simm.s32 $_size_execute0_lowered;
	s3 =	sadd.s32 s3, s5;
	[dreg:$0x0] =	wrdreg $0x0  }
0xa8: {  	s5 =	sshll.u32 s28, $0x1;
	[dreg:$0x2] =	wrdreg s3  }
0xa9: {  	[dreg:$0x3] =	wrdreg s5  }
0xaa: {  	[dreg:$0x4] =	wrdreg $0xC0  }
0xab: {  	_ =	task [dreg:s7], $0x5FFFF  }
0xac: {  	[dreg:$0x1] =	wrdreg $0xFFFFFFFF  }
0xad: {  	[dreg:$0x0] =	wrdreg $0x60  }
0xae: {  	[dreg:$0x2] =	wrdreg s2  }
0xaf: {  	[dreg:$0x3] =	wrdreg s24  }
0xb0: {  	[dreg:$0x4] =	wrdreg $0x9  }
0xb1: {  	_ =	task.clear_ibuf [dreg:s7], $0x5FFFF;
	_ =	strace $0x90000049  }
0xb2: {  	s29 =	simm.s32 $0x9;
	_ =	strace $0x8000004B  }
0xb3: {  	_ =	swait.ge [sflag:s29], $0x1  }
0xb4: {  	[sflag:s29] =	ssyncadd.s32 $0xFFFFFFFF  }
0xb5: {  	_ =	strace $0x9000004B  }
0xb6: {  	_ =	sfence  }
0xb7: {  	s30 =	sld [smem:$0x0];
	_ =	sdelay $0x2  }
0xb8: {  	s31 =	sshll.u32 s1, $0xD;
	s1 =	sshrl.u32 s1, $0x2  }
0xb9: {  	s3 =	sand.u32 $0x4000, s31;
	s1 =	sadd.s32 s1, s30  }
0xba: {  	s0 =	sor.u32 s3, s0;
	s1 =	sshll.u32 s1, $0x11  }
0xbb: {  	s0 =	sor.u32 s1, s0  }
0xbc: {  	s0 =	sadd.s32 $0x8F2B, s0  }
0xbd: {  	[sflag:s0] =	ssyncadd.remote.s32 $0x1  }
0xbe: {  	_ =	sfence.sel $0xFFFF  }
0xbf: {  	[dreg:$0x0] =	wrdreg $0xFFFFFFFF;
	(pc) =	sbr.abs _section_cstart, $3  }
0xc0: {  	[dreg:$0x1] =	wrdreg $0xFFFFFFFF  }
0xc1: {  	_ =	task.clear_ibuf [dreg:s7], $0x2FFFF;
	_ =	strace $0x9FFFFFFF  }
0xc2: {  	(tm) =	ssettm $0x7FFFFFFF  }
0xc3: {  	_ =	shalt  }
tec
execute0_lowered:
.L_overlay_start_1:
0x0: {  	(tag) =	ssettag $0x1  }
0x1: {  	s0 =	srdreg.scid;
	s2 =	rddreg [dreg:$0x0]  }
0x2: {  	s19 =	stileid.u32;
	s4 =	rddreg [dreg:$0x1]  }
0x3: {  	s3 =	simm.s32 $0x0;
	s24 =	simm.s32 $0x100;
	s29 =	simm.s32 $0x8100  }
0x4: {  	s23 =	simm.s32 $0x10900;
	s25 =	simm.s32 $0x17900;
	s28 =	simm.s32 $0x2  }
0x5: {  	s30 =	simm.s32 $0x3;
	s31 =	simm.s32 $0x4;
	s0 =	sand.u32 $0x1, s0  }
0x6: {  	s1 =	sshll.u32 s19, $0x1;
	[smem:$0x7FF] =	sst s3;
	s8 =	sadd.s32 $0x400, s2  }
0x7: {  	s9 =	sadd.s32 $0x500, s2;
	s10 =	sadd.s32 $0x600, s2;
	s11 =	sadd.s32 $0x700, s2  }
0x8: {  	s12 =	sadd.s32 $0x800, s2;
	s13 =	sadd.s32 $0x900, s2;
	s14 =	sadd.s32 $0xA00, s2  }
0x9: {  	s15 =	sadd.s32 $0xB00, s2;
	s16 =	sadd.s32 $0xC00, s2;
	s17 =	sadd.s32 $0xD00, s2  }
0xa: {  	s18 =	sadd.s32 $0xE00, s2;
	s21 =	smul.u32 $0x30000, s19;
	s19 =	sadd.s32 $0xF00, s2  }
0xb: {  	s1 =	sor.u32 s0, s1;
	s6 =	ssub.s32 $0x2, s0;
	s0 =	smul.u32 $0x18000, s0  }
0xc: {  	_ =	strace $0x8000004A;
	s5 =	smul.u32 $0xC0, s1;
	s7 =	sshrl.u32 s6, $0x1  }
0xd: {  	s1 =	smul.u32 $0x18000, s1;
	s20 =	ssub.s32 s6, s7;
	s6 =	sadd.s32 $0x200, s2  }
0xe: {  	s7 =	sadd.s32 $0x300, s2;
	s5 =	sshrl.u32 s5, $0x3;
	s20 =	smax.u32 s20, $0x1  }
0xf: {  	s5 =	sadd.s32 s5, s4;
	s4 =	sadd.s32 $0xC00, s4;
	[dreg:$0x4] =	wrdreg s20  }
.Ltmp0:
0x10: {  	s5 =	sadd.s32 $0x600C00, s5;
	s1 =	sadd.s32 s4, s1;
	(pc) =	sbr.rel .LBB2_1-.Ltmp0, $4  }
0x11: {  	s26 =	sadd.s32 s21, s4;
	s4 =	simm.s32 $0x10100;
	s21 =	simm.s32 $0x0  }
0x12: {  	v0 =	vlaneseq.u32;
	[dreg:$0x3] =	wrdreg s5;
	s5 =	sadd.s32 $0x100, s2;
	s1 =	sadd.s32 $0x16000, s1  }
0x13: {  	v1 =	vshrl.u32 v0, $0x3;
	s0 =	sadd.s32 s0, s26;
	s26 =	simm.s32 $0x1;
	[dreg:$0x5] =	wrdreg s1  }
0x14: {  	vm0 =	vmmov $0xffff;
	v0 =	vand.u32 $0x7, v0;
	v1 =	vmul.u32 $0x8, v1;
	[dreg:$0x6] =	wrdreg s0;
	s1 =	simm.s32 $0x5;
	s0 =	simm.s32 $0x6  }
.LBB2_7:
0x15: {  	_ =	swait.ge [sflag:s31], $0x8000  }
0x16: {  	[sflag:s31] =	ssyncset.done $0x0  }
0x17: {  	[sflag:s31] =	ssyncadd.s32 $0xFFFF8000  }
0x18: {  	_ =	swait.ge [sflag:s1], $0x8000  }
0x19: {  	[sflag:s1] =	ssyncset.done $0x0  }
0x1a: {  	[sflag:s1] =	ssyncadd.s32 $0xFFFF8000  }
0x1b: {  	_ =	swait.ge [sflag:s0], $0x8000  }
0x1c: {  	s21 =	rddreg [dreg:$0x7]  }
0x1d: {  	s20 =	rddreg [dreg:$0x4];
	s21 =	sadd.s32 $0x1, s21  }
0x1e: {  	p0 =	sne.s32 s21, s20  }
.Ltmp1:
0x1f: {  	_ = 	snop;
	(pc) =	sbr.rel @!p0 .LBB2_8-.Ltmp1, $3  }
0x20: {  	_ =	sdelay $0x1  }
0x21: {  	[sflag:s0] =	ssyncset.done $0x0  }
0x22: {  	[sflag:s0] =	ssyncadd.s32 $0xFFFF8000  }
.LBB2_1:
0x23: {  	[dreg:$0x7] =	wrdreg s21  }
0x24: {  	s20 =	rddreg [dreg:$0x3];
	s21 =	simm.s32 $0x7  }
0x25: {  	[tilespmem:s3], [sflag:$0x7] =	stream.linear.gather [hbm4b:s20+s3], $0xC0, $0x38;
	[tilespmem:$0x18100] =	vst v63  }
0x26: {  	_ =	swait.ge [sflag:s21], $0xC0  }
0x27: {  	[sflag:s21] =	ssyncset.done $0x0  }
0x28: {  	[sflag:s21] =	ssyncadd.s32 $0xFFFFFF40  }
0x29: {  	v2 =	vld.msk [tilespmem:$0x0], $0xff;
	_ =	sdelay $0x4  }
0x2a: {  	v3 =	vshll.u32 v2, $0x5  }
0x2b: {  	v2 =	vand.u32 $0x7, v2;
	v3 =	vand.u32 $0xFFFFFF00, v3  }
0x2c: {  	v2 =	vor.u32 v2, v3  }
0x2d: {  	v2 =	vperm.xlane v2, v0;
	_ =	sdelay $0x1  }
0x2e: {  	v2 =	vadd.s32 v1, v2;
	_ =	sdelay $0x4  }
0x2f: {  	[tilespmem:s24], [sflag:$0x1] =	stream.indirect_vreg.gather [hbm4b:s2+s3], $0x80, v2, vm0, $0xb8;
	[tilespmem:$0x18100] =	vst v63  }
0x30: {  	s22 =	simm.s32 $0x900  }
0x31: {  	[tilespmem:s22], [sflag:$0x1] =	stream.indirect_vreg.gather [hbm4b:s5+s3], $0x80, v2, vm0, $0xb8;
	[tilespmem:$0x18100] =	vst v63  }
0x32: {  	s21 =	simm.s32 $0x1100  }
0x33: {  	[tilespmem:s21], [sflag:$0x1] =	stream.indirect_vreg.gather [hbm4b:s6+s3], $0x80, v2, vm0, $0xb8;
	[tilespmem:$0x18100] =	vst v63  }
0x34: {  	s22 =	simm.s32 $0x1900  }
0x35: {  	[tilespmem:s22], [sflag:$0x1] =	stream.indirect_vreg.gather [hbm4b:s7+s3], $0x80, v2, vm0, $0xb8;
	[tilespmem:$0x18100] =	vst v63  }
0x36: {  	s21 =	simm.s32 $0x2100  }
0x37: {  	[tilespmem:s21], [sflag:$0x1] =	stream.indirect_vreg.gather [hbm4b:s8+s3], $0x80, v2, vm0, $0xb8;
	[tilespmem:$0x18100] =	vst v63  }
0x38: {  	s22 =	simm.s32 $0x2900  }
0x39: {  	[tilespmem:s22], [sflag:$0x1] =	stream.indirect_vreg.gather [hbm4b:s9+s3], $0x80, v2, vm0, $0xb8;
	[tilespmem:$0x18100] =	vst v63  }
0x3a: {  	s21 =	simm.s32 $0x3100  }
0x3b: {  	[tilespmem:s21], [sflag:$0x1] =	stream.indirect_vreg.gather [hbm4b:s10+s3], $0x80, v2, vm0, $0xb8;
	[tilespmem:$0x18100] =	vst v63  }
0x3c: {  	s22 =	simm.s32 $0x3900  }
0x3d: {  	[tilespmem:s22], [sflag:$0x1] =	stream.indirect_vreg.gather [hbm4b:s11+s3], $0x80, v2, vm0, $0xb8;
	[tilespmem:$0x18100] =	vst v63  }
0x3e: {  	s21 =	simm.s32 $0x4100  }
0x3f: {  	[tilespmem:s21], [sflag:$0x1] =	stream.indirect_vreg.gather [hbm4b:s12+s3], $0x80, v2, vm0, $0xb8;
	[tilespmem:$0x18100] =	vst v63  }
0x40: {  	s22 =	simm.s32 $0x4900  }
0x41: {  	[tilespmem:s22], [sflag:$0x1] =	stream.indirect_vreg.gather [hbm4b:s13+s3], $0x80, v2, vm0, $0xb8;
	[tilespmem:$0x18100] =	vst v63  }
0x42: {  	s21 =	simm.s32 $0x5100  }
0x43: {  	[tilespmem:s21], [sflag:$0x1] =	stream.indirect_vreg.gather [hbm4b:s14+s3], $0x80, v2, vm0, $0xb8;
	[tilespmem:$0x18100] =	vst v63  }
0x44: {  	s22 =	simm.s32 $0x5900  }
0x45: {  	[tilespmem:s22], [sflag:$0x1] =	stream.indirect_vreg.gather [hbm4b:s15+s3], $0x80, v2, vm0, $0xb8;
	[tilespmem:$0x18100] =	vst v63  }
0x46: {  	s21 =	simm.s32 $0x6100  }
0x47: {  	[tilespmem:s21], [sflag:$0x1] =	stream.indirect_vreg.gather [hbm4b:s16+s3], $0x80, v2, vm0, $0xb8;
	[tilespmem:$0x18100] =	vst v63  }
0x48: {  	s22 =	simm.s32 $0x6900  }
0x49: {  	[tilespmem:s22], [sflag:$0x1] =	stream.indirect_vreg.gather [hbm4b:s17+s3], $0x80, v2, vm0, $0xb8;
	[tilespmem:$0x18100] =	vst v63  }
0x4a: {  	s21 =	simm.s32 $0x7100  }
0x4b: {  	[tilespmem:s21], [sflag:$0x1] =	stream.indirect_vreg.gather [hbm4b:s18+s3], $0x80, v2, vm0, $0xb8;
	[tilespmem:$0x18100] =	vst v63  }
0x4c: {  	s22 =	simm.s32 $0x7900  }
0x4d: {  	[tilespmem:s22], [sflag:$0x1] =	stream.indirect_vreg.gather [hbm4b:s19+s3], $0x80, v2, vm0, $0xb8;
	[tilespmem:$0x18100] =	vst v63  }
0x4e: {  	v2 =	vld.msk [tilespmem:$0x8], $0xff;
	_ =	sdelay $0x4  }
0x4f: {  	v3 =	vshll.u32 v2, $0x5  }
0x50: {  	v2 =	vand.u32 $0x7, v2;
	v3 =	vand.u32 $0xFFFFFF00, v3  }
0x51: {  	v2 =	vor.u32 v2, v3  }
0x52: {  	v2 =	vperm.xlane v2, v0;
	_ =	sdelay $0x1  }
0x53: {  	v2 =	vadd.s32 v1, v2;
	_ =	sdelay $0x4  }
0x54: {  	[tilespmem:s29], [sflag:$0x2] =	stream.indirect_vreg.gather [hbm4b:s2+s3], $0x80, v2, vm0, $0xb8;
	[tilespmem:$0x18100] =	vst v63  }
0x55: {  	s21 =	simm.s32 $0x8900  }
0x56: {  	[tilespmem:s21], [sflag:$0x2] =	stream.indirect_vreg.gather [hbm4b:s5+s3], $0x80, v2, vm0, $0xb8;
	[tilespmem:$0x18100] =	vst v63  }
0x57: {  	s22 =	simm.s32 $0x9100  }
0x58: {  	[tilespmem:s22], [sflag:$0x2] =	stream.indirect_vreg.gather [hbm4b:s6+s3], $0x80, v2, vm0, $0xb8;
	[tilespmem:$0x18100] =	vst v63  }
0x59: {  	s21 =	simm.s32 $0x9900  }
0x5a: {  	[tilespmem:s21], [sflag:$0x2] =	stream.indirect_vreg.gather [hbm4b:s7+s3], $0x80, v2, vm0, $0xb8;
	[tilespmem:$0x18100] =	vst v63  }
0x5b: {  	s22 =	simm.s32 $0xA100  }
0x5c: {  	[tilespmem:s22], [sflag:$0x2] =	stream.indirect_vreg.gather [hbm4b:s8+s3], $0x80, v2, vm0, $0xb8;
	[tilespmem:$0x18100] =	vst v63  }
0x5d: {  	s21 =	simm.s32 $0xA900  }
0x5e: {  	[tilespmem:s21], [sflag:$0x2] =	stream.indirect_vreg.gather [hbm4b:s9+s3], $0x80, v2, vm0, $0xb8;
	[tilespmem:$0x18100] =	vst v63  }
0x5f: {  	s22 =	simm.s32 $0xB100  }
0x60: {  	[tilespmem:s22], [sflag:$0x2] =	stream.indirect_vreg.gather [hbm4b:s10+s3], $0x80, v2, vm0, $0xb8;
	[tilespmem:$0x18100] =	vst v63  }
0x61: {  	s21 =	simm.s32 $0xB900  }
0x62: {  	[tilespmem:s21], [sflag:$0x2] =	stream.indirect_vreg.gather [hbm4b:s11+s3], $0x80, v2, vm0, $0xb8;
	[tilespmem:$0x18100] =	vst v63  }
0x63: {  	s22 =	simm.s32 $0xC100  }
0x64: {  	[tilespmem:s22], [sflag:$0x2] =	stream.indirect_vreg.gather [hbm4b:s12+s3], $0x80, v2, vm0, $0xb8;
	[tilespmem:$0x18100] =	vst v63  }
0x65: {  	s21 =	simm.s32 $0xC900  }
0x66: {  	[tilespmem:s21], [sflag:$0x2] =	stream.indirect_vreg.gather [hbm4b:s13+s3], $0x80, v2, vm0, $0xb8;
	[tilespmem:$0x18100] =	vst v63  }
0x67: {  	s22 =	simm.s32 $0xD100  }
0x68: {  	[tilespmem:s22], [sflag:$0x2] =	stream.indirect_vreg.gather [hbm4b:s14+s3], $0x80, v2, vm0, $0xb8;
	[tilespmem:$0x18100] =	vst v63  }
0x69: {  	s21 =	simm.s32 $0xD900  }
0x6a: {  	[tilespmem:s21], [sflag:$0x2] =	stream.indirect_vreg.gather [hbm4b:s15+s3], $0x80, v2, vm0, $0xb8;
	[tilespmem:$0x18100] =	vst v63  }
0x6b: {  	s22 =	simm.s32 $0xE100  }
0x6c: {  	[tilespmem:s22], [sflag:$0x2] =	stream.indirect_vreg.gather [hbm4b:s16+s3], $0x80, v2, vm0, $0xb8;
	[tilespmem:$0x18100] =	vst v63  }
0x6d: {  	s21 =	simm.s32 $0xE900  }
0x6e: {  	[tilespmem:s21], [sflag:$0x2] =	stream.indirect_vreg.gather [hbm4b:s17+s3], $0x80, v2, vm0, $0xb8;
	[tilespmem:$0x18100] =	vst v63  }
0x6f: {  	s22 =	simm.s32 $0xF100  }
0x70: {  	[tilespmem:s22], [sflag:$0x2] =	stream.indirect_vreg.gather [hbm4b:s18+s3], $0x80, v2, vm0, $0xb8;
	[tilespmem:$0x18100] =	vst v63  }
0x71: {  	s21 =	simm.s32 $0xF900  }
0x72: {  	[tilespmem:s21], [sflag:$0x2] =	stream.indirect_vreg.gather [hbm4b:s19+s3], $0x80, v2, vm0, $0xb8;
	[tilespmem:$0x18100] =	vst v63  }
0x73: {  	v2 =	vld.msk [tilespmem:$0x10], $0xff;
	_ =	sdelay $0x4  }
0x74: {  	v3 =	vshll.u32 v2, $0x5  }
0x75: {  	v2 =	vand.u32 $0x7, v2;
	v3 =	vand.u32 $0xFFFFFF00, v3  }
0x76: {  	v2 =	vor.u32 v2, v3  }
0x77: {  	v2 =	vperm.xlane v2, v0;
	_ =	sdelay $0x1  }
0x78: {  	v2 =	vadd.s32 v1, v2;
	_ =	sdelay $0x4  }
0x79: {  	[tilespmem:s4], [sflag:$0x3] =	stream.indirect_vreg.gather [hbm4b:s2+s3], $0x80, v2, vm0, $0xb8;
	[tilespmem:$0x18100] =	vst v63  }
0x7a: {  	_ = 	snop  }
0x7b: {  	[tilespmem:s23], [sflag:$0x3] =	stream.indirect_vreg.gather [hbm4b:s5+s3], $0x80, v2, vm0, $0xb8;
	[tilespmem:$0x18100] =	vst v63  }
0x7c: {  	s22 =	simm.s32 $0x11100  }
0x7d: {  	[tilespmem:s22], [sflag:$0x3] =	stream.indirect_vreg.gather [hbm4b:s6+s3], $0x80, v2, vm0, $0xb8;
	[tilespmem:$0x18100] =	vst v63  }
0x7e: {  	s21 =	simm.s32 $0x11900  }
0x7f: {  	[tilespmem:s21], [sflag:$0x3] =	stream.indirect_vreg.gather [hbm4b:s7+s3], $0x80, v2, vm0, $0xb8;
	[tilespmem:$0x18100] =	vst v63  }
0x80: {  	s22 =	simm.s32 $0x12100  }
0x81: {  	[tilespmem:s22], [sflag:$0x3] =	stream.indirect_vreg.gather [hbm4b:s8+s3], $0x80, v2, vm0, $0xb8;
	[tilespmem:$0x18100] =	vst v63  }
0x82: {  	s21 =	simm.s32 $0x12900  }
0x83: {  	[tilespmem:s21], [sflag:$0x3] =	stream.indirect_vreg.gather [hbm4b:s9+s3], $0x80, v2, vm0, $0xb8;
	[tilespmem:$0x18100] =	vst v63  }
0x84: {  	s22 =	simm.s32 $0x13100  }
0x85: {  	[tilespmem:s22], [sflag:$0x3] =	stream.indirect_vreg.gather [hbm4b:s10+s3], $0x80, v2, vm0, $0xb8;
	[tilespmem:$0x18100] =	vst v63  }
0x86: {  	s21 =	simm.s32 $0x13900  }
0x87: {  	[tilespmem:s21], [sflag:$0x3] =	stream.indirect_vreg.gather [hbm4b:s11+s3], $0x80, v2, vm0, $0xb8;
	[tilespmem:$0x18100] =	vst v63  }
0x88: {  	s22 =	simm.s32 $0x14100  }
0x89: {  	[tilespmem:s22], [sflag:$0x3] =	stream.indirect_vreg.gather [hbm4b:s12+s3], $0x80, v2, vm0, $0xb8;
	[tilespmem:$0x18100] =	vst v63  }
0x8a: {  	s21 =	simm.s32 $0x14900  }
0x8b: {  	[tilespmem:s21], [sflag:$0x3] =	stream.indirect_vreg.gather [hbm4b:s13+s3], $0x80, v2, vm0, $0xb8;
	[tilespmem:$0x18100] =	vst v63  }
0x8c: {  	s22 =	simm.s32 $0x15100  }
0x8d: {  	[tilespmem:s22], [sflag:$0x3] =	stream.indirect_vreg.gather [hbm4b:s14+s3], $0x80, v2, vm0, $0xb8;
	[tilespmem:$0x18100] =	vst v63  }
0x8e: {  	s21 =	simm.s32 $0x15900  }
0x8f: {  	[tilespmem:s21], [sflag:$0x3] =	stream.indirect_vreg.gather [hbm4b:s15+s3], $0x80, v2, vm0, $0xb8;
	[tilespmem:$0x18100] =	vst v63  }
0x90: {  	s22 =	simm.s32 $0x16100  }
0x91: {  	[tilespmem:s22], [sflag:$0x3] =	stream.indirect_vreg.gather [hbm4b:s16+s3], $0x80, v2, vm0, $0xb8;
	[tilespmem:$0x18100] =	vst v63  }
0x92: {  	s21 =	simm.s32 $0x16900  }
0x93: {  	[tilespmem:s21], [sflag:$0x3] =	stream.indirect_vreg.gather [hbm4b:s17+s3], $0x80, v2, vm0, $0xb8;
	[tilespmem:$0x18100] =	vst v63  }
0x94: {  	s22 =	simm.s32 $0x17100  }
0x95: {  	[tilespmem:s22], [sflag:$0x3] =	stream.indirect_vreg.gather [hbm4b:s18+s3], $0x80, v2, vm0, $0xb8;
	[tilespmem:$0x18100] =	vst v63  }
0x96: {  	s20 =	simm.s32 $0x0;
	s21 =	rddreg [dreg:$0x6]  }
0x97: {  	[tilespmem:s25], [sflag:$0x3] =	stream.indirect_vreg.gather [hbm4b:s19+s3], $0x80, v2, vm0, $0xb8;
	[tilespmem:$0x18100] =	vst v63  }
.LBB2_2:
0x98: {  	p0 =	seq.s32 s20, $0x2A0  }
.Ltmp2:
0x99: {  	_ = 	snop;
	(pc) =	sbr.rel @!p0 .LBB2_3-.Ltmp2, $4  }
0x9a: {  	_ =	swait.ge [sflag:s26], $0x8000  }
0x9b: {  	[sflag:s26] =	ssyncset.done $0x0  }
0x9c: {  	[sflag:s26] =	ssyncadd.s32 $0xFFFF8000  }
0x9d: {  	[hbm4b:s21+s3] =	stream.linear.scatter [tilespmem:s24], [sflag:$0x4], $0x8000, $0x38;
	[tilespmem:$0x18100] =	vst v63  }
.Ltmp3:
0x9e: {  	(pc) =	sbr.rel .LBB2_5-.Ltmp3, $4  }
0x9f: {  	_ =	swait.ge [sflag:s28], $0x8000  }
0xa0: {  	[sflag:s28] =	ssyncset.done $0x0  }
0xa1: {  	s22 =	rddreg [dreg:$0x5];
	[sflag:s28] =	ssyncadd.s32 $0xFFFF8000  }
0xa2: {  	[hbm4b:s22+s3] =	stream.linear.scatter [tilespmem:s29], [sflag:$0x5], $0x8000, $0x38;
	[tilespmem:$0x18100] =	vst v63  }
.LBB2_3:
0xa3: {  	_ =	swait.ge [sflag:s31], $0x8000  }
0xa4: {  	[sflag:s31] =	ssyncset.done $0x0  }
0xa5: {  	s22 =	sshra.s32 s20, $0x2;
	[sflag:s31] =	ssyncadd.s32 $0xFFFF8000  }
0xa6: {  	v2 =	vld.msk [tilespmem:s22+$0x18], $0xff;
	_ =	sdelay $0x4  }
0xa7: {  	v3 =	vshll.u32 v2, $0x5  }
0xa8: {  	v2 =	vand.u32 $0x7, v2;
	v3 =	vand.u32 $0xFFFFFF00, v3  }
0xa9: {  	v2 =	vor.u32 v2, v3  }
0xaa: {  	v2 =	vperm.xlane v2, v0;
	_ =	sdelay $0x1  }
0xab: {  	v2 =	vadd.s32 v1, v2;
	_ =	sdelay $0x4  }
0xac: {  	[tilespmem:s24], [sflag:$0x1] =	stream.indirect_vreg.gather [hbm4b:s2+s3], $0x80, v2, vm0, $0xb8;
	[tilespmem:$0x18100] =	vst v63  }
0xad: {  	s23 =	simm.s32 $0x900  }
0xae: {  	[tilespmem:s23], [sflag:$0x1] =	stream.indirect_vreg.gather [hbm4b:s5+s3], $0x80, v2, vm0, $0xb8;
	[tilespmem:$0x18100] =	vst v63  }
0xaf: {  	s23 =	simm.s32 $0x1100  }
0xb0: {  	[tilespmem:s23], [sflag:$0x1] =	stream.indirect_vreg.gather [hbm4b:s6+s3], $0x80, v2, vm0, $0xb8;
	[tilespmem:$0x18100] =	vst v63  }
0xb1: {  	s23 =	simm.s32 $0x1900  }
0xb2: {  	[tilespmem:s23], [sflag:$0x1] =	stream.indirect_vreg.gather [hbm4b:s7+s3], $0x80, v2, vm0, $0xb8;
	[tilespmem:$0x18100] =	vst v63  }
0xb3: {  	s23 =	simm.s32 $0x2100  }
0xb4: {  	[tilespmem:s23], [sflag:$0x1] =	stream.indirect_vreg.gather [hbm4b:s8+s3], $0x80, v2, vm0, $0xb8;
	[tilespmem:$0x18100] =	vst v63  }
0xb5: {  	s23 =	simm.s32 $0x2900  }
0xb6: {  	[tilespmem:s23], [sflag:$0x1] =	stream.indirect_vreg.gather [hbm4b:s9+s3], $0x80, v2, vm0, $0xb8;
	[tilespmem:$0x18100] =	vst v63  }
0xb7: {  	s23 =	simm.s32 $0x3100  }
0xb8: {  	[tilespmem:s23], [sflag:$0x1] =	stream.indirect_vreg.gather [hbm4b:s10+s3], $0x80, v2, vm0, $0xb8;
	[tilespmem:$0x18100] =	vst v63  }
0xb9: {  	s23 =	simm.s32 $0x3900  }
0xba: {  	[tilespmem:s23], [sflag:$0x1] =	stream.indirect_vreg.gather [hbm4b:s11+s3], $0x80, v2, vm0, $0xb8;
	[tilespmem:$0x18100] =	vst v63  }
0xbb: {  	s23 =	simm.s32 $0x4100  }
0xbc: {  	[tilespmem:s23], [sflag:$0x1] =	stream.indirect_vreg.gather [hbm4b:s12+s3], $0x80, v2, vm0, $0xb8;
	[tilespmem:$0x18100] =	vst v63  }
0xbd: {  	s23 =	simm.s32 $0x4900  }
0xbe: {  	[tilespmem:s23], [sflag:$0x1] =	stream.indirect_vreg.gather [hbm4b:s13+s3], $0x80, v2, vm0, $0xb8;
	[tilespmem:$0x18100] =	vst v63  }
0xbf: {  	s23 =	simm.s32 $0x5100  }
0xc0: {  	[tilespmem:s23], [sflag:$0x1] =	stream.indirect_vreg.gather [hbm4b:s14+s3], $0x80, v2, vm0, $0xb8;
	[tilespmem:$0x18100] =	vst v63  }
0xc1: {  	s23 =	simm.s32 $0x5900  }
0xc2: {  	[tilespmem:s23], [sflag:$0x1] =	stream.indirect_vreg.gather [hbm4b:s15+s3], $0x80, v2, vm0, $0xb8;
	[tilespmem:$0x18100] =	vst v63  }
0xc3: {  	s23 =	simm.s32 $0x6100  }
0xc4: {  	[tilespmem:s23], [sflag:$0x1] =	stream.indirect_vreg.gather [hbm4b:s16+s3], $0x80, v2, vm0, $0xb8;
	[tilespmem:$0x18100] =	vst v63  }
0xc5: {  	s23 =	simm.s32 $0x6900  }
0xc6: {  	[tilespmem:s23], [sflag:$0x1] =	stream.indirect_vreg.gather [hbm4b:s17+s3], $0x80, v2, vm0, $0xb8;
	[tilespmem:$0x18100] =	vst v63  }
0xc7: {  	s23 =	simm.s32 $0x7100  }
0xc8: {  	[tilespmem:s23], [sflag:$0x1] =	stream.indirect_vreg.gather [hbm4b:s18+s3], $0x80, v2, vm0, $0xb8;
	[tilespmem:$0x18100] =	vst v63  }
0xc9: {  	s23 =	simm.s32 $0x7900  }
0xca: {  	[tilespmem:s23], [sflag:$0x1] =	stream.indirect_vreg.gather [hbm4b:s19+s3], $0x80, v2, vm0, $0xb8;
	[tilespmem:$0x18100] =	vst v63  }
0xcb: {  	_ =	swait.ge [sflag:s28], $0x8000  }
0xcc: {  	[sflag:s28] =	ssyncset.done $0x0  }
0xcd: {  	s23 =	sadd.s32 $0x1000, s21;
	[sflag:s28] =	ssyncadd.s32 $0xFFFF8000  }
0xce: {  	[hbm4b:s23+s3] =	stream.linear.scatter [tilespmem:s29], [sflag:$0x5], $0x8000, $0x38;
	[tilespmem:$0x18100] =	vst v63  }
0xcf: {  	_ =	swait.ge [sflag:s1], $0x8000  }
0xd0: {  	[sflag:s1] =	ssyncset.done $0x0  }
0xd1: {  	[sflag:s1] =	ssyncadd.s32 $0xFFFF8000  }
0xd2: {  	v2 =	vld.msk [tilespmem:s22+$0x20], $0xff;
	_ =	sdelay $0x4  }
0xd3: {  	v3 =	vshll.u32 v2, $0x5  }
0xd4: {  	v2 =	vand.u32 $0x7, v2;
	v3 =	vand.u32 $0xFFFFFF00, v3  }
0xd5: {  	v2 =	vor.u32 v2, v3  }
0xd6: {  	v2 =	vperm.xlane v2, v0;
	_ =	sdelay $0x1  }
0xd7: {  	v2 =	vadd.s32 v1, v2;
	_ =	sdelay $0x4  }
0xd8: {  	[tilespmem:s29], [sflag:$0x2] =	stream.indirect_vreg.gather [hbm4b:s2+s3], $0x80, v2, vm0, $0xb8;
	[tilespmem:$0x18100] =	vst v63  }
0xd9: {  	s22 =	simm.s32 $0x8900  }
0xda: {  	[tilespmem:s22], [sflag:$0x2] =	stream.indirect_vreg.gather [hbm4b:s5+s3], $0x80, v2, vm0, $0xb8;
	[tilespmem:$0x18100] =	vst v63  }
0xdb: {  	s22 =	simm.s32 $0x9100  }
0xdc: {  	[tilespmem:s22], [sflag:$0x2] =	stream.indirect_vreg.gather [hbm4b:s6+s3], $0x80, v2, vm0, $0xb8;
	[tilespmem:$0x18100] =	vst v63  }
0xdd: {  	s22 =	simm.s32 $0x9900  }
0xde: {  	[tilespmem:s22], [sflag:$0x2] =	stream.indirect_vreg.gather [hbm4b:s7+s3], $0x80, v2, vm0, $0xb8;
	[tilespmem:$0x18100] =	vst v63  }
0xdf: {  	s22 =	simm.s32 $0xA100  }
0xe0: {  	[tilespmem:s22], [sflag:$0x2] =	stream.indirect_vreg.gather [hbm4b:s8+s3], $0x80, v2, vm0, $0xb8;
	[tilespmem:$0x18100] =	vst v63  }
0xe1: {  	s22 =	simm.s32 $0xA900  }
0xe2: {  	[tilespmem:s22], [sflag:$0x2] =	stream.indirect_vreg.gather [hbm4b:s9+s3], $0x80, v2, vm0, $0xb8;
	[tilespmem:$0x18100] =	vst v63  }
0xe3: {  	s22 =	simm.s32 $0xB100  }
0xe4: {  	[tilespmem:s22], [sflag:$0x2] =	stream.indirect_vreg.gather [hbm4b:s10+s3], $0x80, v2, vm0, $0xb8;
	[tilespmem:$0x18100] =	vst v63  }
0xe5: {  	s22 =	simm.s32 $0xB900  }
0xe6: {  	[tilespmem:s22], [sflag:$0x2] =	stream.indirect_vreg.gather [hbm4b:s11+s3], $0x80, v2, vm0, $0xb8;
	[tilespmem:$0x18100] =	vst v63  }
0xe7: {  	s22 =	simm.s32 $0xC100  }
0xe8: {  	[tilespmem:s22], [sflag:$0x2] =	stream.indirect_vreg.gather [hbm4b:s12+s3], $0x80, v2, vm0, $0xb8;
	[tilespmem:$0x18100] =	vst v63  }
0xe9: {  	s22 =	simm.s32 $0xC900  }
0xea: {  	[tilespmem:s22], [sflag:$0x2] =	stream.indirect_vreg.gather [hbm4b:s13+s3], $0x80, v2, vm0, $0xb8;
	[tilespmem:$0x18100] =	vst v63  }
0xeb: {  	s22 =	simm.s32 $0xD100  }
0xec: {  	[tilespmem:s22], [sflag:$0x2] =	stream.indirect_vreg.gather [hbm4b:s14+s3], $0x80, v2, vm0, $0xb8;
	[tilespmem:$0x18100] =	vst v63  }
0xed: {  	s22 =	simm.s32 $0xD900  }
0xee: {  	[tilespmem:s22], [sflag:$0x2] =	stream.indirect_vreg.gather [hbm4b:s15+s3], $0x80, v2, vm0, $0xb8;
	[tilespmem:$0x18100] =	vst v63  }
0xef: {  	s22 =	simm.s32 $0xE100  }
0xf0: {  	[tilespmem:s22], [sflag:$0x2] =	stream.indirect_vreg.gather [hbm4b:s16+s3], $0x80, v2, vm0, $0xb8;
	[tilespmem:$0x18100] =	vst v63  }
0xf1: {  	s22 =	simm.s32 $0xE900  }
0xf2: {  	[tilespmem:s22], [sflag:$0x2] =	stream.indirect_vreg.gather [hbm4b:s17+s3], $0x80, v2, vm0, $0xb8;
	[tilespmem:$0x18100] =	vst v63  }
0xf3: {  	s22 =	simm.s32 $0xF100  }
0xf4: {  	[tilespmem:s22], [sflag:$0x2] =	stream.indirect_vreg.gather [hbm4b:s18+s3], $0x80, v2, vm0, $0xb8;
	[tilespmem:$0x18100] =	vst v63  }
0xf5: {  	s23 =	simm.s32 $0x10900;
	s22 =	simm.s32 $0xF900  }
0xf6: {  	[tilespmem:s22], [sflag:$0x2] =	stream.indirect_vreg.gather [hbm4b:s19+s3], $0x80, v2, vm0, $0xb8;
	[tilespmem:$0x18100] =	vst v63  }
.LBB2_5:
.Ltmp4:
0xf7: {  	(pc) =	sbr.rel @p0 .LBB2_7-.Ltmp4, $4  }
0xf8: {  	_ =	swait.ge [sflag:s30], $0x8000  }
0xf9: {  	[sflag:s30] =	ssyncset.done $0x0  }
0xfa: {  	s22 =	sadd.s32 $0x2000, s21;
	[sflag:s30] =	ssyncadd.s32 $0xFFFF8000  }
0xfb: {  	[hbm4b:s22+s3] =	stream.linear.scatter [tilespmem:s4], [sflag:$0x6], $0x8000, $0x38;
	[tilespmem:$0x18100] =	vst v63  }
0xfc: {  	_ =	swait.ge [sflag:s0], $0x8000  }
0xfd: {  	[sflag:s0] =	ssyncset.done $0x0  }
0xfe: {  	s22 =	sshra.s32 s20, $0x2;
	[sflag:s0] =	ssyncadd.s32 $0xFFFF8000  }
0xff: {  	v2 =	vld.msk [tilespmem:s22+$0x28], $0xff;
	_ =	sdelay $0x4  }
0x100: {  	v3 =	vshll.u32 v2, $0x5  }
0x101: {  	v2 =	vand.u32 $0x7, v2;
	v3 =	vand.u32 $0xFFFFFF00, v3  }
0x102: {  	v2 =	vor.u32 v2, v3  }
0x103: {  	v2 =	vperm.xlane v2, v0;
	_ =	sdelay $0x1  }
0x104: {  	v2 =	vadd.s32 v1, v2;
	_ =	sdelay $0x4  }
0x105: {  	[tilespmem:s4], [sflag:$0x3] =	stream.indirect_vreg.gather [hbm4b:s2+s3], $0x80, v2, vm0, $0xb8;
	[tilespmem:$0x18100] =	vst v63  }
0x106: {  	_ = 	snop  }
0x107: {  	[tilespmem:s23], [sflag:$0x3] =	stream.indirect_vreg.gather [hbm4b:s5+s3], $0x80, v2, vm0, $0xb8;
	[tilespmem:$0x18100] =	vst v63  }
0x108: {  	s22 =	simm.s32 $0x11100  }
0x109: {  	[tilespmem:s22], [sflag:$0x3] =	stream.indirect_vreg.gather [hbm4b:s6+s3], $0x80, v2, vm0, $0xb8;
	[tilespmem:$0x18100] =	vst v63  }
0x10a: {  	s22 =	simm.s32 $0x11900  }
0x10b: {  	[tilespmem:s22], [sflag:$0x3] =	stream.indirect_vreg.gather [hbm4b:s7+s3], $0x80, v2, vm0, $0xb8;
	[tilespmem:$0x18100] =	vst v63  }
0x10c: {  	s22 =	simm.s32 $0x12100  }
0x10d: {  	[tilespmem:s22], [sflag:$0x3] =	stream.indirect_vreg.gather [hbm4b:s8+s3], $0x80, v2, vm0, $0xb8;
	[tilespmem:$0x18100] =	vst v63  }
0x10e: {  	s22 =	simm.s32 $0x12900  }
0x10f: {  	[tilespmem:s22], [sflag:$0x3] =	stream.indirect_vreg.gather [hbm4b:s9+s3], $0x80, v2, vm0, $0xb8;
	[tilespmem:$0x18100] =	vst v63  }
0x110: {  	s22 =	simm.s32 $0x13100  }
0x111: {  	[tilespmem:s22], [sflag:$0x3] =	stream.indirect_vreg.gather [hbm4b:s10+s3], $0x80, v2, vm0, $0xb8;
	[tilespmem:$0x18100] =	vst v63  }
0x112: {  	s22 =	simm.s32 $0x13900  }
0x113: {  	[tilespmem:s22], [sflag:$0x3] =	stream.indirect_vreg.gather [hbm4b:s11+s3], $0x80, v2, vm0, $0xb8;
	[tilespmem:$0x18100] =	vst v63  }
0x114: {  	s22 =	simm.s32 $0x14100  }
0x115: {  	[tilespmem:s22], [sflag:$0x3] =	stream.indirect_vreg.gather [hbm4b:s12+s3], $0x80, v2, vm0, $0xb8;
	[tilespmem:$0x18100] =	vst v63  }
0x116: {  	s22 =	simm.s32 $0x14900  }
0x117: {  	[tilespmem:s22], [sflag:$0x3] =	stream.indirect_vreg.gather [hbm4b:s13+s3], $0x80, v2, vm0, $0xb8;
	[tilespmem:$0x18100] =	vst v63  }
0x118: {  	s22 =	simm.s32 $0x15100  }
0x119: {  	[tilespmem:s22], [sflag:$0x3] =	stream.indirect_vreg.gather [hbm4b:s14+s3], $0x80, v2, vm0, $0xb8;
	[tilespmem:$0x18100] =	vst v63  }
0x11a: {  	s22 =	simm.s32 $0x15900  }
0x11b: {  	[tilespmem:s22], [sflag:$0x3] =	stream.indirect_vreg.gather [hbm4b:s15+s3], $0x80, v2, vm0, $0xb8;
	[tilespmem:$0x18100] =	vst v63  }
0x11c: {  	s22 =	simm.s32 $0x16100  }
0x11d: {  	[tilespmem:s22], [sflag:$0x3] =	stream.indirect_vreg.gather [hbm4b:s16+s3], $0x80, v2, vm0, $0xb8;
	[tilespmem:$0x18100] =	vst v63  }
0x11e: {  	s22 =	simm.s32 $0x16900  }
0x11f: {  	[tilespmem:s22], [sflag:$0x3] =	stream.indirect_vreg.gather [hbm4b:s17+s3], $0x80, v2, vm0, $0xb8;
	[tilespmem:$0x18100] =	vst v63  }
.Ltmp5:
0x120: {  	_ = 	snop;
	(pc) =	sbr.rel .LBB2_2-.Ltmp5, $4  }
0x121: {  	s22 =	simm.s32 $0x17100  }
0x122: {  	[tilespmem:s22], [sflag:$0x3] =	stream.indirect_vreg.gather [hbm4b:s18+s3], $0x80, v2, vm0, $0xb8;
	[tilespmem:$0x18100] =	vst v63  }
0x123: {  	s20 =	sadd.s32 $0x60, s20;
	s21 =	sadd.s32 $0x3000, s21  }
0x124: {  	[tilespmem:s25], [sflag:$0x3] =	stream.indirect_vreg.gather [hbm4b:s19+s3], $0x80, v2, vm0, $0xb8;
	[tilespmem:$0x18100] =	vst v63  }
.LBB2_8:
0x125: {  	_ =	sfence.sel $0x180000  }
0x126: {  	[bflag:$0x0] =	sbarrier.arrive $0xFFFF  }
0x127: {  	_ =	strace $0x9000004A  }
0x128: {  	s0 =	stileid.u32;
	[bflag:$0x2] =	sbarrier.arrive $0xFFFF  }
0x129: {  	p0 =	sne.s32 s0, $0x0;
	s0 =	rddreg [dreg:$0x2]  }
0x12a: {  	s0 =	sadd.s32 @!p0 $0x100000, s0  }
0x12b: {  	[sflag:s0] =	ssyncadd.tile.s32 @!p0 $0x1;
	_ =	shalt  }
.Lfunc_end2:
_tile_overlayer_lowered:
.L_overlay_start_2:
0x12c: {  	(tag) =	ssettag $0x2  }
0x12d: {  	s0 =	rddreg [dreg:$0x0];
	s2 =	stileid.u32  }
0x12e: {  	s1 =	rddreg [dreg:$0x1];
	p0 =	sne.s32 s2, $0x0  }
0x12f: {  	s3 =	rddreg [dreg:$0x2];
	[bflag:$0x3] =	sbarrier.arrive $0xFFFF;
	s2 =	simm.s32 @!p0 $0x1C07  }
0x130: {  	[timem:s3], [sflag:s2] =	dma.local @!p0 [hbm:s0], s1  }
0x131: {  	s0 =	simm.s32 @!p0 $0x7  }
0x132: {  	_ =	swait.ge @!p0 [sflag:s0], s1  }
0x133: {  	s1 =	ssub.s32 @!p0 $0x0, s1;
	[sflag:s0] =	ssyncset.done @!p0 $0x0  }
0x134: {  	[sflag:s0] =	ssyncadd.s32 @!p0 s1  }
0x135: {  	[bflag:$0x3] =	sbarrier.arrive $0xFFFF  }
0x136: {  	_ =	shalt  }

// kernel: sparse-core-data-format-call.1.cloned.1.call-start
scs
called_computation.1_lowered:
.L_overlay_start_0:
0x0: {  	s2 =	sld [smem:$0x3FD9]  }
0x1: {  	s3 =	sld [smem:$0x3FFE];
	_ =	sdelay $0x1  }
0x2: {  	s1 =	srdreg.scid  }
0x3: {  	s0 =	sand.u32 $0x1, s1  }
0x4: {  	s18 =	sshll.u32 s0, $0xA;
	s2 =	sadd.s32 s3, s2  }
0x5: {  	s2 =	sadd.s32 s2, s18  }
0x6: {  	[smem:$0x3FC7] =	sst s2  }
0x7: {  	_ = 	snop  }
0x8: {  	s2 =	sld [smem:$0x3FC9];
	(tm) =	ssettm $0x1  }
0x9: {  	s19 =	sld [smem:$0x3FFB];
	_ =	sdelay $0x3  }
0xa: {  	_ =	strace s19  }
0xb: {  	s3 =	sld [smem:$0x3FFC];
	_ =	sdelay $0x3  }
0xc: {  	_ =	strace s3  }
0xd: {  	s3 =	sld [smem:$0x3FFD];
	_ =	sdelay $0x3  }
0xe: {  	_ =	strace s3  }
0xf: {  	_ =	strace $0x8FFFFFFF  }
0x10: {  	s20 =	sld [smem:$0x3FDB];
	_ =	sdelay $0x1  }
0x11: {  	s4 =	simm.s32 $_scs_section_size  }
0x12: {  	s5 =	simm.s32 $_size__tile_overlayer_lowered;
	s6 =	simm.s32 $_tile_overlayer_lowered  }
0x13: {  	s23 =	simm.s32 $0x1BFF;
	s22 =	sshll.u32 s6, $0x1;
	s3 =	sadd.s32 s4, s20  }
0x14: {  	s7 =	simm.s32 $0x0;
	s21 =	sshll.u32 s5, $0x1;
	s5 =	sadd.s32 s22, s3  }
0x15: {  	[timem:s7], [sflag:s23] =	dma.local [hbm:s5], s21  }
0x16: {  	_ =	swait.ge [sflag:s23], s21  }
0x17: {  	s4 =	ssub.s32 $0x0, s21;
	[sflag:s23] =	ssyncset.done $0x0  }
0x18: {  	[sflag:s23] =	ssyncadd.s32 s4;
	_ =	sdelay $0x1  }
0x19: {  	s24 =	simm.s32 $0x1B8B  }
0x1a: {  	_ =	swait.ge [sflag:s24], $0x1  }
0x1b: {  	[sflag:s24] =	ssyncset.done $0x0  }
0x1c: {  	s26 =	simm.s32 $0x1B8E;
	s25 =	sld [smem:$0x3FFE];
	[sflag:s24] =	ssyncadd.s32 $0xFFFFFFFF  }
0x1d: {  	s27 =	simm.s32 $execute0_lowered;
	[smem:$0x3FD2] =	sst s26  }
0x1e: {  	s5 =	sshll.u32 s27, $0x1;
	_ =	strace $0x80000046;
	[dreg:$0x1] =	wrdreg $0xFFFFFFFF  }
0x1f: {  	s28 =	simm.s32 $_size_execute0_lowered;
	s3 =	sadd.s32 s3, s5;
	[dreg:$0x0] =	wrdreg $0x0  }
0x20: {  	s5 =	sshll.u32 s28, $0x1;
	[dreg:$0x2] =	wrdreg s3  }
0x21: {  	[dreg:$0x3] =	wrdreg s5  }
0x22: {  	[dreg:$0x4] =	wrdreg $0xC0  }
0x23: {  	_ =	task [dreg:s7], $0x5FFFF  }
0x24: {  	[dreg:$0x1] =	wrdreg $0xFFFFFFFF  }
0x25: {  	[dreg:$0x0] =	wrdreg $0x60  }
0x26: {  	[dreg:$0x2] =	wrdreg s2  }
0x27: {  	[dreg:$0x3] =	wrdreg s25  }
0x28: {  	[dreg:$0x4] =	wrdreg $0x9  }
0x29: {  	_ =	task.clear_ibuf [dreg:s7], $0x5FFFF;
	_ =	strace $0x90000046  }
0x2a: {  	s29 =	simm.s32 $0x9;
	_ =	strace $0x80000048  }
0x2b: {  	_ =	swait.ge [sflag:s29], $0x1  }
0x2c: {  	[sflag:s29] =	ssyncadd.s32 $0xFFFFFFFF  }
0x2d: {  	_ =	strace $0x90000048  }
0x2e: {  	_ =	sfence  }
0x2f: {  	s30 =	sld [smem:$0x0];
	_ =	sdelay $0x2  }
0x30: {  	s31 =	sshll.u32 s1, $0xD;
	s1 =	sshrl.u32 s1, $0x2  }
0x31: {  	s3 =	sand.u32 $0x4000, s31;
	s1 =	sadd.s32 s1, s30  }
0x32: {  	s0 =	sor.u32 s3, s0;
	s1 =	sshll.u32 s1, $0x11  }
0x33: {  	s0 =	sor.u32 s1, s0  }
0x34: {  	s0 =	sadd.s32 $0x8F2B, s0  }
0x35: {  	[sflag:s0] =	ssyncadd.remote.s32 $0x1  }
0x36: {  	_ =	sfence.sel $0xFFFF  }
0x37: {  	[dreg:$0x0] =	wrdreg $0xFFFFFFFF;
	(pc) =	sbr.abs _section_cstart, $3  }
0x38: {  	[dreg:$0x1] =	wrdreg $0xFFFFFFFF  }
0x39: {  	_ =	task.clear_ibuf [dreg:s7], $0x2FFFF;
	_ =	strace $0x9FFFFFFF  }
0x3a: {  	(tm) =	ssettm $0x7FFFFFFF  }
0x3b: {  	_ =	shalt  }
tec
execute0_lowered:
.L_overlay_start_1:
0x0: {  	(tag) =	ssettag $0x1  }
0x1: {  	s0 =	srdreg.scid;
	s1 =	rddreg [dreg:$0x0]  }
0x2: {  	s3 =	rddreg [dreg:$0x1];
	s7 =	simm.s32 $0x2;
	s15 =	simm.s32 $0x0  }
0x3: {  	p0 =	por $0x0, $0x0;
	s8 =	simm.s32 $0x2000;
	s14 =	simm.s32 $0x0  }
0x4: {  	s17 =	simm.s32 $0x0;
	s16 =	simm.s32 $0x0;
	s2 =	sand.u32 $0x1, s0  }
0x5: {  	s9 =	simm.s32 $0x0;
	s10 =	simm.s32 $0x0;
	s4 =	ssub.s32 $0x40, s2  }
.Ltmp0:
0x6: {  	s12 =	stileid.u32;
	s5 =	sshrl.u32 s4, $0x1;
	(pc) =	sbr.rel .LBB1_1-.Ltmp0, $4  }
0x7: {  	s13 =	simm.s32 $0x0;
	s0 =	rddreg [dreg:$0x2];
	s6 =	ssub.s32 s4, s5  }
0x8: {  	_ =	strace $0x80000047;
	s5 =	simm.s32 $0x1;
	s6 =	smul.u32 $0x3, s6  }
0x9: {  	s11 =	smov.u32 s2;
	s4 =	sadd.s32 $0xC00, s3;
	[sflag:s5] =	ssyncpa.u1 $0x0  }
0xa: {  	s3 =	stileid.u32;
	[sflag:s7] =	ssyncpa.u1 $0x0;
	s7 =	sadd.s32 $0x1, s6  }
.LBB1_4:
0xb: {  	v5 =	vld [tilespmem:s20+$0xFFFFFFD0];
	[tilespmem:s21+$0x1040 ss:$0x41] =	vst.msk $0xffff, v2  }
0xc: {  	v58 =	vld [tilespmem:s20+$0xFFFFFFE0];
	[tilespmem:s21+$0x1450 ss:$0x41] =	vst.msk $0xffff, v3  }
0xd: {  	s22 =	sshra.s32 s22, $0x2;
	v59 =	vld [tilespmem:s20+$0xFFFFFFF0];
	[tilespmem:s21+$0x1860 ss:$0x41] =	vst.msk $0xffff, v4  }
0xe: {  	v60 =	vld [tilespmem:s20+$0x0];
	[tilespmem:s21+$0x0 ss:$0x41] =	vst.msk $0xffff, v0;
	s19 =	sadd.s32 s22, s19  }
0xf: {  	v61 =	vld [tilespmem:s20+$0x10];
	[tilespmem:s19+$0x1C70 ss:$0x41] =	vst.msk $0xffff, v1  }
0x10: {  	s17 =	sshll.u32 s17, $0x7;
	s27 =	sshll.u32 s14, $0x3;
	v62 =	vld [tilespmem:s20+$0x20];
	s16 =	smul.u32 $0x60000, s16;
	[tilespmem:s19+$0x410 ss:$0x41] =	vst.msk $0xffff, v5  }
0x11: {  	v63 =	vld [tilespmem:s20+$0xFFFFFFC0];
	s15 =	sshll.u32 s15, $0xA;
	s28 =	sand.u32 $0x1C00, s17;
	s21 =	sand.u32 $0x1C00, s27;
	[tilespmem:s19+$0x820 ss:$0x41] =	vst.msk $0xffff, v58  }
0x12: {  	s29 =	sshrl.u32 s14, $0x3;
	s17 =	sand.u32 $0x380, s17;
	s21 =	sadd.s32 s28, s21;
	[tilespmem:s19+$0xC30 ss:$0x41] =	vst.msk $0xffff, v59  }
0x13: {  	s30 =	sand.u32 $0x7, s14;
	s16 =	sadd.s32 s4, s16;
	s17 =	sor.u32 s17, s21;
	[tilespmem:s19+$0x1040 ss:$0x41] =	vst.msk $0xffff, v60  }
0x14: {  	s20 =	sand.u32 $0xF, s29;
	s15 =	sadd.s32 s15, s16;
	s17 =	sshrl.u32 s17, $0x3;
	[tilespmem:s19+$0x1450 ss:$0x41] =	vst.msk $0xffff, v61  }
0x15: {  	s14 =	sshll.u32 s30, $0x12;
	s15 =	sadd.s32 s20, s15;
	[tilespmem:s19+$0x1860 ss:$0x41] =	vst.msk $0xffff, v62;
	s31 =	sand.u32 $0x3F0, s17  }
0x16: {  	s14 =	sor.u32 $0x40, s14;
	[tilespmem:s19+$0x0 ss:$0x41] =	vst.msk $0xffff, v63;
	s15 =	sadd.s32 s31, s15  }
0x17: {  	[hbm4b:s15+s14] =	stream.strided.scatter [tilespmem:s18], [sflag:$0x2], $0x2000, s8, s14, $0x18;
	[tilespmem:$0x8100] =	vst v63  }
.LBB1_5:
0x18: {  	s18 =	sadd.s32 $0x80, s9  }
0x19: {  	s14 =	sadd.s32 $0x40, s10;
	s19 =	smov.u32 s10;
	p2 =	sgt.s32 s18, $0x17F  }
0x1a: {  	s19 =	smov.u32 @p2 s14  }
0x1b: {  	s20 =	smov.u32 s11;
	s14 =	sadd.s32 $0x2, s11;
	p3 =	sgt.s32 s19, $0x3F  }
0x1c: {  	s20 =	smov.u32 @p3 s14  }
0x1d: {  	s21 =	smov.u32 s12;
	s14 =	sadd.s32 $0x10, s12;
	p4 =	sgt.s32 s20, $0x3F  }
0x1e: {  	p1 =	slt.u32 s13, $0x2;
	s21 =	smov.u32 @p4 s14  }
0x1f: {  	s15 =	smov.u32 s9;
	s18 =	simm.s32 @p2 $0x0;
	p2 =	sgt.s32 s21, $0xF  }
0x20: {  	s22 =	simm.s32 @!p1 $0x2;
	s21 =	smov.u32 @p2 s3;
	p2 =	sne.s32 s13, s7  }
.Ltmp1:
0x21: {  	s17 =	smov.u32 s11;
	_ =	swait.ge @!p1 [sflag:s22], $0x2000;
	(pc) =	sbr.rel @!p2 .LBB1_6-.Ltmp1, $4  }
0x22: {  	s16 =	smov.u32 s12;
	p0 =	por !p0, !p0;
	[sflag:s22] =	ssyncset.done @!p1 $0x0  }
0x23: {  	s9 =	smov.u32 s18;
	s19 =	simm.s32 @p3 $0x0;
	[sflag:s22] =	ssyncadd.s32 @!p1 $0xFFFFE000  }
0x24: {  	s20 =	smov.u32 @p4 s2;
	s14 =	smov.u32 s10;
	s10 =	smov.u32 s19  }
0x25: {  	s11 =	smov.u32 s20;
	s13 =	sadd.s32 $0x1, s13;
	s12 =	smov.u32 s21  }
.LBB1_1:
0x26: {  	p1 =	sge.u32 s13, s6  }
0x27: {  	s18 =	sshrl.u32 @!p1 s10, $0x3  }
0x28: {  	s19 =	sshll.u32 @!p1 s9, $0x3;
	s18 =	smul.u32 @!p1 $0xC00, s18  }
0x29: {  	s20 =	sshll.u32 @!p1 s10, $0x7;
	s19 =	sand.u32 @!p1 $0xFFFFFC00, s19  }
0x2a: {  	s18 =	sadd.s32 @!p1 s18, s19;
	s19 =	sand.u32 @!p1 $0x380, s20  }
0x2b: {  	s20 =	sand.u32 @!p1 $0x7F, s9;
	s18 =	sor.u32 @!p1 s19, s18  }
0x2c: {  	s19 =	sor.u32 @!p1 s20, s18  }
0x2d: {  	s20 =	smulhi.u32 @!p1 $0xAAAAAAAB, s19  }
0x2e: {  	s18 =	smulhi.u32 @!p1 $0xAAAAAAAB, s18  }
0x2f: {  	s31 =	sadd.s32 $0xFFFFFFFF, s13;
	s22 =	smul.u32 @!p1 $0x30000, s12;
	s20 =	sshrl.u32 @!p1 s20, $0x8  }
0x30: {  	s21 =	sxor.u32 @!p1 $0xFFFFFFFF, s13;
	s18 =	sshrl.u32 @!p1 s18, $0x8;
	s20 =	smul.u32 @!p1 $0x180, s20  }
0x31: {  	s23 =	smul.u32 @!p1 $0xC00, s11;
	s21 =	sshll.u32 @!p1 s21, $0xD;
	s18 =	sand.u32 @!p1 $0x3F, s18  }
0x32: {  	s18 =	smul.u32 @!p1 $0x30, s18;
	s19 =	ssub.s32 @!p1 s19, s20;
	s20 =	sadd.s32 @!p1 s1, s22  }
0x33: {  	s21 =	sand.u32 @!p1 $0x2000, s21;
	s20 =	sadd.s32 @!p1 s23, s20;
	s22 =	sand.u32 @!p1 $0x7, s19  }
0x34: {  	s19 =	sshrl.u32 @!p1 s19, $0x3;
	s18 =	sadd.s32 @!p1 s18, s20;
	s20 =	sshll.u32 @!p1 s22, $0x12  }
0x35: {  	s18 =	sadd.s32 @!p1 s19, s18;
	s19 =	sor.u32 @!p1 $0x400, s20;
	s20 =	simm.s32 @!p1 $0xC00  }
0x36: {  	[tilespmem:s21], [sflag:$0x1] =	stream.strided.gather @!p1 [hbm4b:s18+s19], $0x2000, s20, s19, $0x38;
	[tilespmem:$0x8100] =	vst v63  }
0x37: {  	p1 =	sge.u32 s31, s6  }
.Ltmp2:
0x38: {  	_ = 	snop;
	(pc) =	sbr.rel @p1 .LBB1_5-.Ltmp2, $1  }
0x39: {  	_ =	sdelay $0x3  }
0x3a: {  	s18 =	simm.s32 $0x1  }
0x3b: {  	_ =	swait.ge [sflag:s5], $0x2000;
	s18 =	simm.s32 @!p0 $0x0  }
0x3c: {  	[sflag:s5] =	ssyncset.done $0x0;
	s19 =	sshll.u32 s18, $0xD  }
0x3d: {  	[sflag:s5] =	ssyncadd.s32 $0xFFFFE000;
	s20 =	sor.u32 $0x40, s19  }
0x3e: {  	s18 =	smul.u32 $0x8200, s18;
	v0 =	vld [tilespmem:s20+$0x30]  }
0x3f: {  	v1 =	vld [tilespmem:s20+$0xFFFFFFD0]  }
0x40: {  	s18 =	sshrl.u32 s18, $0x2;
	v5 =	vld [tilespmem:s20+$0xFFFFFFE0]  }
0x41: {  	v6 =	vld [tilespmem:s20+$0xFFFFFFF0];
	s19 =	sor.u32 $0x4000, s18  }
0x42: {  	s31 =	sand.u32 $0x1, s13;
	v2 =	vld [tilespmem:s20+$0x0];
	s21 =	sadd.s32 $0x0, s19  }
0x43: {  	v3 =	vld [tilespmem:s20+$0x10];
	s18 =	smul.u32 $0x8200, s31;
	[tilespmem:s21+$0x1C70 ss:$0x41] =	vst.msk $0xffff, v0  }
0x44: {  	v4 =	vld [tilespmem:s20+$0x20];
	[tilespmem:s21+$0x410 ss:$0x41] =	vst.msk $0xffff, v1  }
0x45: {  	s18 =	sshrl.u32 s18, $0x2;
	v0 =	vld [tilespmem:s20+$0xFFFFFFC0];
	[tilespmem:s21+$0x820 ss:$0x41] =	vst.msk $0xffff, v5;
	s20 =	sadd.s32 $0x80, s20  }
0x46: {  	s22 =	simm.s32 $0x4;
	s23 =	simm.s32 $0x8;
	s18 =	sor.u32 $0x4000, s18;
	[tilespmem:s21+$0xC30 ss:$0x41] =	vst.msk $0xffff, v6;
	v1 =	vld [tilespmem:s20+$0x30]  }
.LBB1_3:
0x47: {  	p1 =	sne.s32 s23, $0xFC;
	v5 =	vld [tilespmem:s20+$0xFFFFFFD0];
	[tilespmem:s21+$0x1040 ss:$0x41] =	vst.msk $0xffff, v2  }
0x48: {  	v6 =	vld [tilespmem:s20+$0xFFFFFFE0];
	[tilespmem:s21+$0x1450 ss:$0x41] =	vst.msk $0xffff, v3  }
0x49: {  	s24 =	sshra.s32 s22, $0x2;
	s22 =	smov.u32 s23;
	v7 =	vld [tilespmem:s20+$0xFFFFFFF0];
	[tilespmem:s21+$0x1860 ss:$0x41] =	vst.msk $0xffff, v4  }
.Ltmp3:
0x4a: {  	v2 =	vld [tilespmem:s20+$0x0];
	[tilespmem:s21+$0x0 ss:$0x41] =	vst.msk $0xffff, v0;
	s21 =	sadd.s32 s24, s19;
	(pc) =	sbr.rel @p1 .LBB1_3-.Ltmp3, $4  }
0x4b: {  	v3 =	vld [tilespmem:s20+$0x10];
	[tilespmem:s21+$0x1C70 ss:$0x41] =	vst.msk $0xffff, v1  }
0x4c: {  	[tilespmem:s21+$0x410 ss:$0x41] =	vst.msk $0xffff, v5;
	v4 =	vld [tilespmem:s20+$0x20]  }
0x4d: {  	v0 =	vld [tilespmem:s20+$0xFFFFFFC0];
	[tilespmem:s21+$0x820 ss:$0x41] =	vst.msk $0xffff, v6;
	s20 =	sadd.s32 $0x80, s20  }
0x4e: {  	s23 =	sadd.s32 $0x4, s23;
	v1 =	vld [tilespmem:s20+$0x30];
	[tilespmem:s21+$0xC30 ss:$0x41] =	vst.msk $0xffff, v7  }
.Ltmp4:
0x4f: {  	_ = 	snop;
	(pc) =	sbr.rel .LBB1_4-.Ltmp4, $1  }
0x50: {  	_ =	sdelay $0x3  }
.LBB1_6:
0x51: {  	_ =	sfence.sel $0x180000  }
0x52: {  	s1 =	simm.s32 $0x1;
	[bflag:$0x0] =	sbarrier.arrive $0xFFFF  }
0x53: {  	s31 =	simm.s32 $0x2;
	[sflag:s1] =	ssyncpa.u1 $0x1  }
0x54: {  	[sflag:s31] =	ssyncpa.u1 $0x1  }
0x55: {  	p0 =	sne.s32 s3, $0x0;
	_ =	strace $0x90000047  }
0x56: {  	s0 =	sadd.s32 @!p0 $0x100000, s0;
	[bflag:$0x2] =	sbarrier.arrive $0xFFFF  }
0x57: {  	[sflag:s0] =	ssyncadd.tile.s32 @!p0 $0x1;
	_ =	shalt  }
.Lfunc_end1:
_tile_overlayer_lowered:
.L_overlay_start_2:
0x58: {  	(tag) =	ssettag $0x2  }
0x59: {  	s0 =	rddreg [dreg:$0x0];
	s2 =	stileid.u32  }
0x5a: {  	s1 =	rddreg [dreg:$0x1];
	p0 =	sne.s32 s2, $0x0  }
0x5b: {  	s3 =	rddreg [dreg:$0x2];
	[bflag:$0x3] =	sbarrier.arrive $0xFFFF;
	s2 =	simm.s32 @!p0 $0x1C01  }
0x5c: {  	[timem:s3], [sflag:s2] =	dma.local @!p0 [hbm:s0], s1  }
0x5d: {  	s0 =	simm.s32 @!p0 $0x1  }
0x5e: {  	_ =	swait.ge @!p0 [sflag:s0], s1  }
0x5f: {  	s1 =	ssub.s32 @!p0 $0x0, s1;
	[sflag:s0] =	ssyncset.done @!p0 $0x0  }
0x60: {  	[sflag:s0] =	ssyncadd.s32 @!p0 s1  }
0x61: {  	[bflag:$0x3] =	sbarrier.arrive $0xFFFF  }
0x62: {  	_ =	shalt  }

// kernel: sparse-core-data-format-call.cloned.1.call-start
scs
called_computation_lowered:
.L_overlay_start_0:
0x0: {  	s2 =	sld [smem:$0x3FD9]  }
0x1: {  	s3 =	sld [smem:$0x3FFE];
	_ =	sdelay $0x1  }
0x2: {  	s1 =	srdreg.scid  }
0x3: {  	s0 =	sand.u32 $0x1, s1  }
0x4: {  	s18 =	sshll.u32 s0, $0xA;
	s2 =	sadd.s32 s3, s2  }
0x5: {  	s2 =	sadd.s32 s2, s18  }
0x6: {  	[smem:$0x3FC7] =	sst s2  }
0x7: {  	_ = 	snop  }
0x8: {  	s2 =	sld [smem:$0x3FD0];
	(tm) =	ssettm $0x1  }
0x9: {  	s19 =	sld [smem:$0x3FFB];
	_ =	sdelay $0x3  }
0xa: {  	_ =	strace s19  }
0xb: {  	s3 =	sld [smem:$0x3FFC];
	_ =	sdelay $0x3  }
0xc: {  	_ =	strace s3  }
0xd: {  	s3 =	sld [smem:$0x3FFD];
	_ =	sdelay $0x3  }
0xe: {  	_ =	strace s3  }
0xf: {  	_ =	strace $0x8FFFFFFF  }
0x10: {  	s20 =	sld [smem:$0x3FDB];
	_ =	sdelay $0x1  }
0x11: {  	s4 =	simm.s32 $_scs_section_size  }
0x12: {  	s5 =	simm.s32 $_size__tile_overlayer_lowered;
	s6 =	simm.s32 $_tile_overlayer_lowered  }
0x13: {  	s23 =	simm.s32 $0x1BFF;
	s22 =	sshll.u32 s6, $0x1;
	s3 =	sadd.s32 s4, s20  }
0x14: {  	s7 =	simm.s32 $0x0;
	s21 =	sshll.u32 s5, $0x1;
	s5 =	sadd.s32 s22, s3  }
0x15: {  	[timem:s7], [sflag:s23] =	dma.local [hbm:s5], s21  }
0x16: {  	_ =	swait.ge [sflag:s23], s21  }
0x17: {  	s4 =	ssub.s32 $0x0, s21;
	[sflag:s23] =	ssyncset.done $0x0  }
0x18: {  	[sflag:s23] =	ssyncadd.s32 s4;
	_ =	sdelay $0x1  }
0x19: {  	s24 =	simm.s32 $0x1B8B  }
0x1a: {  	_ =	swait.ge [sflag:s24], $0x1  }
0x1b: {  	[sflag:s24] =	ssyncset.done $0x0  }
0x1c: {  	s26 =	simm.s32 $0x1B8E;
	s25 =	sld [smem:$0x3FFE];
	[sflag:s24] =	ssyncadd.s32 $0xFFFFFFFF  }
0x1d: {  	s27 =	simm.s32 $execute0_lowered;
	[smem:$0x3FD2] =	sst s26  }
0x1e: {  	s5 =	sshll.u32 s27, $0x1;
	_ =	strace $0x8000004C;
	[dreg:$0x1] =	wrdreg $0xFFFFFFFF  }
0x1f: {  	s28 =	simm.s32 $_size_execute0_lowered;
	s3 =	sadd.s32 s3, s5;
	[dreg:$0x0] =	wrdreg $0x0  }
0x20: {  	s5 =	sshll.u32 s28, $0x1;
	[dreg:$0x2] =	wrdreg s3  }
0x21: {  	[dreg:$0x3] =	wrdreg s5  }
0x22: {  	[dreg:$0x4] =	wrdreg $0xC0  }
0x23: {  	_ =	task [dreg:s7], $0x5FFFF  }
0x24: {  	[dreg:$0x1] =	wrdreg $0xFFFFFFFF  }
0x25: {  	[dreg:$0x0] =	wrdreg $0x60  }
0x26: {  	[dreg:$0x2] =	wrdreg s25  }
0x27: {  	[dreg:$0x3] =	wrdreg s2  }
0x28: {  	[dreg:$0x4] =	wrdreg $0x9  }
0x29: {  	_ =	task.clear_ibuf [dreg:s7], $0x5FFFF;
	_ =	strace $0x9000004C  }
0x2a: {  	s29 =	simm.s32 $0x9;
	_ =	strace $0x8000004E  }
0x2b: {  	_ =	swait.ge [sflag:s29], $0x1  }
0x2c: {  	[sflag:s29] =	ssyncadd.s32 $0xFFFFFFFF  }
0x2d: {  	_ =	strace $0x9000004E  }
0x2e: {  	_ =	sfence  }
0x2f: {  	s30 =	sld [smem:$0x0];
	_ =	sdelay $0x2  }
0x30: {  	s31 =	sshll.u32 s1, $0xD;
	s1 =	sshrl.u32 s1, $0x2  }
0x31: {  	s3 =	sand.u32 $0x4000, s31;
	s1 =	sadd.s32 s1, s30  }
0x32: {  	s0 =	sor.u32 s3, s0;
	s1 =	sshll.u32 s1, $0x11  }
0x33: {  	s0 =	sor.u32 s1, s0  }
0x34: {  	s0 =	sadd.s32 $0x8F2B, s0  }
0x35: {  	[sflag:s0] =	ssyncadd.remote.s32 $0x1  }
0x36: {  	_ =	sfence.sel $0xFFFF  }
0x37: {  	[dreg:$0x0] =	wrdreg $0xFFFFFFFF;
	(pc) =	sbr.abs _section_cstart, $3  }
0x38: {  	[dreg:$0x1] =	wrdreg $0xFFFFFFFF  }
0x39: {  	_ =	task.clear_ibuf [dreg:s7], $0x2FFFF;
	_ =	strace $0x9FFFFFFF  }
0x3a: {  	(tm) =	ssettm $0x7FFFFFFF  }
0x3b: {  	_ =	shalt  }
tec
execute0_lowered:
.L_overlay_start_1:
0x0: {  	(tag) =	ssettag $0x1  }
0x1: {  	s3 =	rddreg [dreg:$0x0]  }
0x2: {  	s0 =	srdreg.scid;
	s2 =	rddreg [dreg:$0x1]  }
0x3: {  	s4 =	simm.s32 $0x1;
	s7 =	simm.s32 $0x2;
	s13 =	simm.s32 $0x0  }
0x4: {  	p0 =	por $0x0, $0x0;
	s8 =	simm.s32 $0xC00;
	s1 =	sand.u32 $0x1, s0  }
0x5: {  	s15 =	simm.s32 $0x0;
	s14 =	simm.s32 $0x0;
	s5 =	ssub.s32 $0x40, s1  }
.Ltmp0:
0x6: {  	s10 =	simm.s32 $0x0;
	s6 =	sshrl.u32 s5, $0x1;
	(pc) =	sbr.rel .LBB1_1-.Ltmp0, $4  }
0x7: {  	s0 =	rddreg [dreg:$0x2];
	_ =	strace $0x8000004D;
	s5 =	ssub.s32 s5, s6  }
0x8: {  	s11 =	stileid.u32;
	[sflag:s4] =	ssyncpa.u1 $0x0;
	s5 =	smul.u32 $0x3, s5  }
0x9: {  	s12 =	simm.s32 $0x0;
	s9 =	smov.u32 s1;
	[sflag:s7] =	ssyncpa.u1 $0x0  }
0xa: {  	s6 =	sadd.s32 $0x300C00, s3;
	s3 =	stileid.u32;
	s7 =	sadd.s32 $0x1, s5  }
.LBB1_4:
0xb: {  	s18 =	sshll.u32 s15, $0x3  }
0xc: {  	s30 =	sand.u32 $0x7F, s15;
	s18 =	sand.u32 $0xFFFFFC00, s18  }
0xd: {  	s15 =	sor.u32 s30, s18  }
0xe: {  	s19 =	smulhi.u32 $0xAAAAAAAB, s15  }
0xf: {  	s18 =	smulhi.u32 $0xAAAAAAAB, s18  }
0x10: {  	s14 =	smul.u32 $0x30000, s14;
	s19 =	sshrl.u32 s19, $0x8  }
0x11: {  	s18 =	sshrl.u32 s18, $0x8;
	s19 =	smul.u32 $0x180, s19  }
0x12: {  	s13 =	smul.u32 $0xC00, s13;
	s18 =	sand.u32 $0x3F, s18  }
0x13: {  	s14 =	sadd.s32 s2, s14;
	s18 =	smul.u32 $0x30, s18;
	s15 =	ssub.s32 s15, s19  }
0x14: {  	[tilespmem:s17+$0x810 ss:$0x81] =	vst.msk $0xffff, v2;
	s13 =	sadd.s32 s13, s14;
	s31 =	sand.u32 $0x7, s15  }
0x15: {  	[tilespmem:s17+$0x1020 ss:$0x81] =	vst.msk $0xffff, v0;
	s13 =	sadd.s32 s18, s13;
	s15 =	sshrl.u32 s15, $0x3;
	s14 =	sshll.u32 s31, $0x12  }
0x16: {  	[tilespmem:s17+$0x0 ss:$0x81] =	vst.msk $0xffff, v1;
	s13 =	sadd.s32 s15, s13;
	s14 =	sor.u32 $0x400, s14  }
0x17: {  	[hbm4b:s13+s14] =	stream.strided.scatter [tilespmem:s16], [sflag:$0x2], $0x2000, s8, s14, $0x20;
	[tilespmem:$0x8080] =	vst v63  }
.LBB1_5:
0x18: {  	s16 =	sadd.s32 $0x2, s9  }
0x19: {  	s13 =	sadd.s32 $0x80, s10;
	s17 =	smov.u32 s10;
	p2 =	sgt.s32 s16, $0x3F  }
0x1a: {  	s17 =	smov.u32 @p2 s13  }
0x1b: {  	s19 =	smov.u32 s11;
	s13 =	sadd.s32 $0x10, s11;
	p3 =	sgt.s32 s17, $0x17F  }
0x1c: {  	s19 =	smov.u32 @p3 s13  }
0x1d: {  	s16 =	smov.u32 @p2 s1;
	p2 =	sgt.s32 s19, $0xF  }
0x1e: {  	p1 =	slt.u32 s12, $0x2;
	s19 =	smov.u32 @p2 s3;
	p2 =	sne.s32 s12, s7  }
.Ltmp1:
0x1f: {  	s18 =	simm.s32 @!p1 $0x2;
	(pc) =	sbr.rel @!p2 .LBB1_6-.Ltmp1, $4  }
0x20: {  	s15 =	smov.u32 s10;
	s14 =	smov.u32 s11;
	_ =	swait.ge @!p1 [sflag:s18], $0x2000  }
0x21: {  	p0 =	por !p0, !p0;
	[sflag:s18] =	ssyncset.done @!p1 $0x0;
	s17 =	simm.s32 @p3 $0x0  }
0x22: {  	s13 =	smov.u32 s9;
	[sflag:s18] =	ssyncadd.s32 @!p1 $0xFFFFE000;
	s9 =	smov.u32 s16  }
0x23: {  	s10 =	smov.u32 s17;
	s12 =	sadd.s32 $0x1, s12;
	s11 =	smov.u32 s19  }
.LBB1_1:
0x24: {  	p1 =	sge.u32 s12, s5  }
0x25: {  	s17 =	smul.u32 @!p1 $0x60000, s11  }
0x26: {  	s31 =	sadd.s32 $0xFFFFFFFF, s12;
	s16 =	sxor.u32 @!p1 $0xFFFFFFFF, s12;
	s18 =	sshll.u32 @!p1 s10, $0xA  }
0x27: {  	s19 =	sshll.u32 @!p1 s9, $0x4;
	s16 =	sshll.u32 @!p1 s16, $0xD;
	s17 =	sadd.s32 @!p1 s6, s17  }
0x28: {  	s19 =	sand.u32 @!p1 $0x3F0, s19;
	s16 =	sand.u32 @!p1 $0x2000, s16;
	s17 =	sadd.s32 @!p1 s18, s17  }
0x29: {  	s18 =	simm.s32 @!p1 $0x40;
	s17 =	sadd.s32 @!p1 s19, s17;
	s19 =	simm.s32 @!p1 $0x2000  }
0x2a: {  	[tilespmem:s16], [sflag:$0x1] =	stream.strided.gather @!p1 [hbm4b:s17+s18], $0x2000, s19, s18, $0x38;
	[tilespmem:$0x8080] =	vst v63  }
0x2b: {  	p1 =	sge.u32 s31, s5  }
.Ltmp2:
0x2c: {  	_ = 	snop;
	(pc) =	sbr.rel @p1 .LBB1_5-.Ltmp2, $1  }
0x2d: {  	_ =	sdelay $0x3  }
0x2e: {  	s16 =	simm.s32 $0x1  }
0x2f: {  	_ =	swait.ge [sflag:s4], $0x2000;
	s16 =	simm.s32 @!p0 $0x0  }
0x30: {  	[sflag:s4] =	ssyncset.done $0x0;
	s17 =	sshll.u32 s16, $0xD  }
0x31: {  	[sflag:s4] =	ssyncadd.s32 $0xFFFFE000;
	s20 =	sor.u32 $0x20, s17  }
0x32: {  	s16 =	smul.u32 $0x8100, s16;
	v3 =	vld [tilespmem:s20+$0x10]  }
0x33: {  	s30 =	sand.u32 $0x1, s12;
	v2 =	vld [tilespmem:s20+$0xFFFFFFF0]  }
0x34: {  	s17 =	smul.u32 $0x8100, s30;
	s16 =	sshrl.u32 s16, $0x2;
	v0 =	vld [tilespmem:s20+$0x0]  }
0x35: {  	v1 =	vld [tilespmem:s20+$0xFFFFFFE0];
	s18 =	sor.u32 $0x4000, s16  }
0x36: {  	s31 =	sshrl.u32 s17, $0x2;
	s17 =	sadd.s32 $0x0, s18  }
0x37: {  	s19 =	simm.s32 $0x4;
	s20 =	sadd.s32 $0x40, s20;
	s16 =	sor.u32 $0x4000, s31;
	[tilespmem:s17+$0x1830 ss:$0x81] =	vst.msk $0xffff, v3  }
.LBB1_3:
0x38: {  	v3 =	vld [tilespmem:s20+$0x10];
	p1 =	sne.s32 s19, $0x1FC;
	[tilespmem:s17+$0x810 ss:$0x81] =	vst.msk $0xffff, v2;
	s21 =	smov.u32 s19;
	s19 =	sadd.s32 $0x4, s19  }
.Ltmp3:
0x39: {  	v2 =	vld [tilespmem:s20+$0xFFFFFFF0];
	[tilespmem:s17+$0x1020 ss:$0x81] =	vst.msk $0xffff, v0;
	(pc) =	sbr.rel @p1 .LBB1_3-.Ltmp3, $4  }
0x3a: {  	v0 =	vld [tilespmem:s20+$0x0];
	[tilespmem:s17+$0x0 ss:$0x81] =	vst.msk $0xffff, v1  }
0x3b: {  	s17 =	sshra.s32 s21, $0x2;
	v1 =	vld [tilespmem:s20+$0xFFFFFFE0]  }
0x3c: {  	s17 =	sadd.s32 s17, s18  }
0x3d: {  	s20 =	sadd.s32 $0x40, s20;
	[tilespmem:s17+$0x1830 ss:$0x81] =	vst.msk $0xffff, v3  }
.Ltmp4:
0x3e: {  	_ = 	snop;
	(pc) =	sbr.rel .LBB1_4-.Ltmp4, $1  }
0x3f: {  	_ =	sdelay $0x3  }
.LBB1_6:
0x40: {  	_ =	sfence.sel $0x180000  }
0x41: {  	s1 =	simm.s32 $0x1;
	[bflag:$0x0] =	sbarrier.arrive $0xFFFF  }
0x42: {  	s31 =	simm.s32 $0x2;
	[sflag:s1] =	ssyncpa.u1 $0x1  }
0x43: {  	[sflag:s31] =	ssyncpa.u1 $0x1  }
0x44: {  	p0 =	sne.s32 s3, $0x0;
	_ =	strace $0x9000004D  }
0x45: {  	s0 =	sadd.s32 @!p0 $0x100000, s0;
	[bflag:$0x2] =	sbarrier.arrive $0xFFFF  }
0x46: {  	[sflag:s0] =	ssyncadd.tile.s32 @!p0 $0x1;
	_ =	shalt  }
.Lfunc_end1:
_tile_overlayer_lowered:
.L_overlay_start_2:
0x47: {  	(tag) =	ssettag $0x2  }
0x48: {  	s0 =	rddreg [dreg:$0x0];
	s2 =	stileid.u32  }
0x49: {  	s1 =	rddreg [dreg:$0x1];
	p0 =	sne.s32 s2, $0x0  }
0x4a: {  	s3 =	rddreg [dreg:$0x2];
	[bflag:$0x3] =	sbarrier.arrive $0xFFFF;
	s2 =	simm.s32 @!p0 $0x1C01  }
0x4b: {  	[timem:s3], [sflag:s2] =	dma.local @!p0 [hbm:s0], s1  }
0x4c: {  	s0 =	simm.s32 @!p0 $0x1  }
0x4d: {  	_ =	swait.ge @!p0 [sflag:s0], s1  }
0x4e: {  	s1 =	ssub.s32 @!p0 $0x0, s1;
	[sflag:s0] =	ssyncset.done @!p0 $0x0  }
0x4f: {  	[sflag:s0] =	ssyncadd.s32 @!p0 s1  }
0x50: {  	[bflag:$0x3] =	sbarrier.arrive $0xFFFF  }
0x51: {  	_ =	shalt  }

</sc_bundles>
